<compile_context>
chip_gen: v7x
topology: tpu7x:2x2x1
jax: 0.10.2.dev20260603
libtpu: 0.0.44.dev20260713+nightly
codegen_flags: <defaults>
</compile_context>

<pallas_src>
import jax
import jax.numpy as jnp
from jax import lax
from jax.experimental import pallas as pl
from jax.experimental.pallas import tpu as pltpu
from jax.experimental.pallas import tpu_sc as plsc

FROZEN = 500_000
DIM = 64
NC, NS = 2, 16
NW = NC * NS
L = 16
G = 128
KB = 4
BR = G * KB


def _body(idx_hbm, p_hbm, t_hbm, out_hbm,
          idx_v, pidx, pdst, tidx, tdst, rowbuf, gsem, ssem):
    n_total = idx_hbm.shape[0]
    chunk = n_total // NW
    wid = lax.axis_index("s") * NC + lax.axis_index("c")
    base = wid * chunk
    pltpu.sync_copy(idx_hbm.at[pl.ds(base, chunk)], idx_v)

    lane = lax.iota(jnp.int32, L)
    zeros = jnp.zeros((L,), jnp.int32)

    def compact_step(i, carry):
        cnt_p, cnt_t = carry
        v = idx_v[pl.ds(i * L, L)]
        pos_g = base + i * L + lane
        m_p = v < FROZEN
        mp_i = m_p.astype(jnp.int32)
        pp = cnt_p + plsc.cumsum(mp_i) - mp_i
        plsc.store_scatter(pidx, [pp], v, mask=m_p)
        plsc.store_scatter(pdst, [pp], pos_g, mask=m_p)
        m_t = jnp.logical_not(m_p)
        mt_i = 1 - mp_i
        tp = cnt_t + plsc.cumsum(mt_i) - mt_i
        plsc.store_scatter(tidx, [tp], v - FROZEN, mask=m_t)
        plsc.store_scatter(tdst, [tp], pos_g, mask=m_t)
        cnt_p = cnt_p + plsc.all_reduce_population_count(m_p)
        cnt_t = cnt_t + plsc.all_reduce_population_count(m_t)
        return cnt_p, cnt_t

    cnt_p, cnt_t = lax.fori_loop(0, chunk // L, compact_step, (zeros, zeros))

    def pad_list(ilist, dlist, cnt_vec):
        count = cnt_vec[0]
        first_i = plsc.load_gather(ilist, [zeros])
        first_d = plsc.load_gather(dlist, [zeros])
        end = ((count + (BR - 1)) >> 9) << 9
        for j in range(BR // L):
            pos = count + j * L + lane
            mm = pos < end
            plsc.store_scatter(ilist, [pos], first_i, mask=mm)
            plsc.store_scatter(dlist, [pos], first_d, mask=mm)
        return end >> 9

    def run_list(ilist, dlist, n_b, table):
        def batch_step(b, _):
            hs = [pltpu.async_copy(table.at[ilist.at[pl.ds((b * KB + k) * G, G)]],
                                   rowbuf.at[pl.ds(k * G, G)], gsem)
                  for k in range(KB)]
            for h in hs:
                h.wait()
            hs2 = [pltpu.async_copy(rowbuf.at[pl.ds(k * G, G)],
                                    out_hbm.at[dlist.at[pl.ds((b * KB + k) * G, G)]], ssem)
                   for k in range(KB)]
            for h in hs2:
                h.wait()
            return 0
        lax.fori_loop(0, n_b, batch_step, 0)

    run_list(pidx, pdst, pad_list(pidx, pdst, cnt_p), p_hbm)
    run_list(tidx, tdst, pad_list(tidx, tdst, cnt_t), t_hbm)


def kernel(batch, pretrained_weight, trainable_weight):
    flat = batch.reshape(-1).astype(jnp.int32)
    n = flat.shape[0]
    chunk = n // NW
    lcap = chunk + BR
    out = pl.kernel(
        _body,
        out_type=jax.ShapeDtypeStruct((n, DIM), jnp.float32),
        mesh=plsc.VectorSubcoreMesh(core_axis_name="c", subcore_axis_name="s"),
        compiler_params=pltpu.CompilerParams(needs_layout_passes=False, use_tc_tiling_on_sc=False),
        scratch_types=[
            pltpu.VMEM((chunk,), jnp.int32),
            pltpu.VMEM((lcap,), jnp.int32),
            pltpu.VMEM((lcap,), jnp.int32),
            pltpu.VMEM((lcap,), jnp.int32),
            pltpu.VMEM((lcap,), jnp.int32),
            pltpu.VMEM((BR, DIM), jnp.float32),
            pltpu.SemaphoreType.DMA,
            pltpu.SemaphoreType.DMA,
        ],
    )(flat, pretrained_weight, trainable_weight)
    return out.reshape(batch.shape + (DIM,))

# --- scband reference (transcript-rebuilt; emitter-appended) ---
"""Pipeline reference for scband-partially-frozen-embeddings-86663850099227 (READ-ONLY COPY).

The authoritative reference and input builder live on the scoring server;
editing this copy changes nothing except your own understanding.
"""

import jax, jax.numpy as jnp
import numpy as np

VOCAB = 1000000
FROZEN_PART = 500000
DIM = 64
BATCH = 4096
HIST = 50


def setup_inputs(seed: int = 0) -> dict:
    key = jax.random.key(seed)
    k1, k2, k3 = jax.random.split(key, 3)
    batch = jax.random.randint(k1, (BATCH, HIST), 0, VOCAB)
    pretrained_weight = jax.random.normal(k2, (FROZEN_PART, DIM), dtype=jnp.float32) * 0.02
    # padding_idx = FROZEN_PART - 1 in the torch module only affects gradient flow,
    # and the pretrained table is frozen anyway; values are kept as-is.
    trainable_weight = jax.random.normal(k3, (VOCAB - FROZEN_PART, DIM), dtype=jnp.float32) * 0.02
    return {"batch": batch, "pretrained_weight": pretrained_weight, "trainable_weight": trainable_weight}


def reference(batch, pretrained_weight, trainable_weight):
    # mask of tokens that fall into the trainable (non-pretrained) part
    mask = batch >= FROZEN_PART
    # indices clamped to 0 for masked entries, lookup in frozen table
    pretrained_batch = jnp.where(mask, 0, batch)
    embedded_batch = jnp.take(pretrained_weight, pretrained_batch, axis=0)
    # shifted indices into trainable table, 0 for entries handled by frozen table
    shifted = jnp.where(mask, batch - FROZEN_PART, 0)
    non_pretrained_embedded = jnp.take(trainable_weight, shifted, axis=0)
    # overwrite masked rows with trainable embeddings
    out = jnp.where(mask[..., None], non_pretrained_embedded, embedded_batch)
    return out

if __name__ == "__main__":
    import jax
    _d = setup_inputs()
    print(jax.jit(kernel)(*tuple(_d.values())))

</pallas_src>

<mosaic_0001>
#map = affine_map<(d0, d1) -> (0)>
#map1 = affine_map<(d0, d1) -> (0, 0)>
module attributes {stable_mosaic.version = 14 : i64} {
  func.func @_body(%arg0: i32, %arg1: i32, %arg2: memref<204800xi32, #tpu.memory_space<hbm>>, %arg3: memref<500000x64xf32, #tpu.memory_space<hbm>>, %arg4: memref<500000x64xf32, #tpu.memory_space<hbm>>, %arg5: memref<204800x64xf32, #tpu.memory_space<hbm>>, %arg6: memref<6400xi32, #tpu.memory_space<vmem>>, %arg7: memref<6912xi32, #tpu.memory_space<vmem>>, %arg8: memref<6912xi32, #tpu.memory_space<vmem>>, %arg9: memref<6912xi32, #tpu.memory_space<vmem>>, %arg10: memref<6912xi32, #tpu.memory_space<vmem>>, %arg11: memref<512x64xf32, #tpu.memory_space<vmem>>, %arg12: memref<!tpu.dma_semaphore, #tpu.memory_space<semaphore_mem>>, %arg13: memref<!tpu.dma_semaphore, #tpu.memory_space<semaphore_mem>>) attributes {dimension_semantics = [#tpu.dimension_semantics<core_parallel>, #tpu.dimension_semantics<subcore_parallel>], iteration_bounds = array<i64: 2, 16>, scalar_prefetch = 0 : i64, scratch_operands = 8 : i64, tpu.core_type = #tpu.core_type<sc_vector_subcore>, window_params = [{transform_indices = #map}, {transform_indices = #map1}, {transform_indices = #map1}, {transform_indices = #map1}]} {
    %mul3A = arith.constant 2 : i32
    %mul3A_0 = arith.muli %arg1, %mul3A : i32
    %add3A = arith.addi %mul3A_0, %arg0 : i32
    %mul3A_1 = arith.constant 6400 : i32
    %mul3A_2 = arith.muli %add3A, %mul3A_1 : i32
    "tpu.region"() ({
      %run_scoped3A = tpu.sem_alloc : memref<!tpu.dma_semaphore, #tpu.memory_space<semaphore_mem>>
      %dma_start3A = tpu.memref_slice %arg2[%mul3A_2] : memref<204800xi32, #tpu.memory_space<hbm>> -> memref<6400xi32, #tpu.memory_space<hbm>>
      %dma_start3A_434 = tpu.memref_slice %arg2[%mul3A_2] : memref<204800xi32, #tpu.memory_space<hbm>> -> memref<6400xi32, #tpu.memory_space<hbm>>
      tpu.enqueue_dma source(%dma_start3A_434 : memref<6400xi32, #tpu.memory_space<hbm>>) target(%arg6 : memref<6400xi32, #tpu.memory_space<vmem>>) target_semaphore(%run_scoped3A : memref<!tpu.dma_semaphore, #tpu.memory_space<semaphore_mem>>)
      %dma_wait3A = tpu.memref_slice %arg2[%mul3A_2] : memref<204800xi32, #tpu.memory_space<hbm>> -> memref<6400xi32, #tpu.memory_space<hbm>>
      %dma_wait3A_435 = tpu.memref_slice %arg2[%mul3A_2] : memref<204800xi32, #tpu.memory_space<hbm>> -> memref<6400xi32, #tpu.memory_space<hbm>>
      tpu.wait_dma2 semaphore(%run_scoped3A : memref<!tpu.dma_semaphore, #tpu.memory_space<semaphore_mem>>) src(%dma_wait3A_435 : memref<6400xi32, #tpu.memory_space<hbm>>) dst(%arg6 : memref<6400xi32, #tpu.memory_space<vmem>>)
      tpu.yield
    }) : () -> ()
    %iota3A = tpu.iota {dimensions = array<i32: 0>} : vector<16xi32>
    %broadcast_in_dim3A = arith.constant 0 : i32
    %broadcast_in_dim3A_3 = vector.broadcast %broadcast_in_dim3A : i32 to vector<16xi32>
    %scan3A = arith.constant 0 : i32
    %scan3A_4 = arith.constant 400 : i32
    %scan3A_5 = arith.addi %scan3A, %scan3A_4 : i32
    %scan3A_6 = arith.constant 1 : i32
    %scan3A_7:2 = scf.for %scan3A_434 = %scan3A to %scan3A_5 step %scan3A_6 iter_args(%scan3A_435 = %broadcast_in_dim3A_3, %scan3A_436 = %broadcast_in_dim3A_3) -> (vector<16xi32>, vector<16xi32>)  : i32 {
      %mul3A_437 = arith.constant 16 : i32
      %mul3A_438 = arith.muli %scan3A_434, %mul3A_437 : i32
      %get3A = arith.index_cast %mul3A_438 : i32 to index
      %get3A_439 = tpu.vector_load %arg6[%get3A] {strides = array<i32>} : memref<6400xi32, #tpu.memory_space<vmem>>, vector<16xi32>,
      %mul3A_440 = arith.constant 16 : i32
      %mul3A_441 = arith.muli %scan3A_434, %mul3A_440 : i32
      %add3A_442 = arith.addi %mul3A_2, %mul3A_441 : i32
      %add3A_443 = vector.broadcast %add3A_442 : i32 to vector<16xi32>
      %add3A_444 = arith.addi %add3A_443, %iota3A : vector<16xi32>
      %lt3A_445 = arith.constant 500000 : i32
      %lt3A_446 = vector.broadcast %lt3A_445 : i32 to vector<16xi32>
      %lt3A_447 = arith.cmpi slt, %get3A_439, %lt3A_446 : vector<16xi32>
      %convert_element_type3A = arith.extui %lt3A_447 : vector<16xi1> to vector<16xi32>
      %broadcast_in_dim3A_448 = arith.constant true
      %broadcast_in_dim3A_449 = vector.broadcast %broadcast_in_dim3A_448 : i1 to vector<16xi1>
      %masked_cumsum3A = tpu.scan <sum>, %convert_element_type3A masked %broadcast_in_dim3A_449 : vector<16xi32>, vector<16xi1> -> vector<16xi32>
      %add3A_450 = arith.addi %scan3A_435, %masked_cumsum3A : vector<16xi32>
      %sub3A = arith.subi %add3A_450, %convert_element_type3A : vector<16xi32>
      tpu.vector_store_idx %arg7[%sub3A], %get3A_439 masked %lt3A_447 : memref<6912xi32, #tpu.memory_space<vmem>>[vector<16xi32>], vector<16xi32>, vector<16xi1>
      tpu.vector_store_idx %arg8[%sub3A], %add3A_444 masked %lt3A_447 : memref<6912xi32, #tpu.memory_space<vmem>>[vector<16xi32>], vector<16xi32>, vector<16xi1>
      %not3A = arith.constant dense<true> : vector<16xi1>
      %not3A_451 = arith.xori %lt3A_447, %not3A : vector<16xi1>
      %sub3A_452 = arith.constant 1 : i32
      %sub3A_453 = vector.broadcast %sub3A_452 : i32 to vector<16xi32>
      %sub3A_454 = arith.subi %sub3A_453, %convert_element_type3A : vector<16xi32>
      %broadcast_in_dim3A_455 = arith.constant true
      %broadcast_in_dim3A_456 = vector.broadcast %broadcast_in_dim3A_455 : i1 to vector<16xi1>
      %masked_cumsum3A_457 = tpu.scan <sum>, %sub3A_454 masked %broadcast_in_dim3A_456 : vector<16xi32>, vector<16xi1> -> vector<16xi32>
      %add3A_458 = arith.addi %scan3A_436, %masked_cumsum3A_457 : vector<16xi32>
      %sub3A_459 = arith.subi %add3A_458, %sub3A_454 : vector<16xi32>
      %sub3A_460 = arith.constant 500000 : i32
      %sub3A_461 = vector.broadcast %sub3A_460 : i32 to vector<16xi32>
      %sub3A_462 = arith.subi %get3A_439, %sub3A_461 : vector<16xi32>
      tpu.vector_store_idx %arg9[%sub3A_459], %sub3A_462 masked %not3A_451 : memref<6912xi32, #tpu.memory_space<vmem>>[vector<16xi32>], vector<16xi32>, vector<16xi1>
      tpu.vector_store_idx %arg10[%sub3A_459], %add3A_444 masked %not3A_451 : memref<6912xi32, #tpu.memory_space<vmem>>[vector<16xi32>], vector<16xi32>, vector<16xi1>
      %all_reduce_population_count3A = tpu.all_reduce %lt3A_447 {dim = 0 : i64, kind = #tpu.reduction_kind<sum>} : vector<16xi1> -> vector<16xi32>
      %add3A_463 = arith.addi %scan3A_435, %all_reduce_population_count3A : vector<16xi32>
      %all_reduce_population_count3A_464 = tpu.all_reduce %not3A_451 {dim = 0 : i64, kind = #tpu.reduction_kind<sum>} : vector<16xi1> -> vector<16xi32>
      %add3A_465 = arith.addi %scan3A_436, %all_reduce_population_count3A_464 : vector<16xi32>
      scf.yield %add3A_463, %add3A_465 : vector<16xi32>, vector<16xi32>
    }
    %scan3A_8 = arith.constant 400 : i32
    %slice3A = vector.extract_strided_slice %scan3A_7#0 {offsets = [0], sizes = [1], strides = [1]} : vector<16xi32> to vector<1xi32>
    %squeeze3A = vector.extract %slice3A[0] : i32 from vector<1xi32>
    %gather3A = tpu.vector_load_idx %arg7[%broadcast_in_dim3A_3] : memref<6912xi32, #tpu.memory_space<vmem>>[vector<16xi32>], vector<16xi32>,
    %gather3A_9 = tpu.vector_load_idx %arg8[%broadcast_in_dim3A_3] : memref<6912xi32, #tpu.memory_space<vmem>>[vector<16xi32>], vector<16xi32>,
    %add3A_10 = arith.constant 511 : i32
    %add3A_11 = arith.addi %squeeze3A, %add3A_10 : i32
    %shift_right_arithmetic3A = arith.constant 9 : i32
    %shift_right_arithmetic3A_12 = arith.shrsi %add3A_11, %shift_right_arithmetic3A : i32
    %shift_left3A = arith.constant 9 : i32
    %shift_left3A_13 = arith.shli %shift_right_arithmetic3A_12, %shift_left3A : i32
    %add3A_14 = arith.constant 0 : i32
    %add3A_15 = arith.addi %squeeze3A, %add3A_14 : i32
    %add3A_16 = vector.broadcast %add3A_15 : i32 to vector<16xi32>
    %add3A_17 = arith.addi %add3A_16, %iota3A : vector<16xi32>
    %lt3A = vector.broadcast %shift_left3A_13 : i32 to vector<16xi32>
    %lt3A_18 = arith.cmpi slt, %add3A_17, %lt3A : vector<16xi32>
    tpu.vector_store_idx %arg7[%add3A_17], %gather3A masked %lt3A_18 : memref<6912xi32, #tpu.memory_space<vmem>>[vector<16xi32>], vector<16xi32>, vector<16xi1>
    tpu.vector_store_idx %arg8[%add3A_17], %gather3A_9 masked %lt3A_18 : memref<6912xi32, #tpu.memory_space<vmem>>[vector<16xi32>], vector<16xi32>, vector<16xi1>
    %add3A_19 = arith.constant 16 : i32
    %add3A_20 = arith.addi %squeeze3A, %add3A_19 : i32
    %add3A_21 = vector.broadcast %add3A_20 : i32 to vector<16xi32>
    %add3A_22 = arith.addi %add3A_21, %iota3A : vector<16xi32>
    %lt3A_23 = vector.broadcast %shift_left3A_13 : i32 to vector<16xi32>
    %lt3A_24 = arith.cmpi slt, %add3A_22, %lt3A_23 : vector<16xi32>
    tpu.vector_store_idx %arg7[%add3A_22], %gather3A masked %lt3A_24 : memref<6912xi32, #tpu.memory_space<vmem>>[vector<16xi32>], vector<16xi32>, vector<16xi1>
    tpu.vector_store_idx %arg8[%add3A_22], %gather3A_9 masked %lt3A_24 : memref<6912xi32, #tpu.memory_space<vmem>>[vector<16xi32>], vector<16xi32>, vector<16xi1>
    %add3A_25 = arith.constant 32 : i32
    %add3A_26 = arith.addi %squeeze3A, %add3A_25 : i32
    %add3A_27 = vector.broadcast %add3A_26 : i32 to vector<16xi32>
    %add3A_28 = arith.addi %add3A_27, %iota3A : vector<16xi32>
    %lt3A_29 = vector.broadcast %shift_left3A_13 : i32 to vector<16xi32>
    %lt3A_30 = arith.cmpi slt, %add3A_28, %lt3A_29 : vector<16xi32>
    tpu.vector_store_idx %arg7[%add3A_28], %gather3A masked %lt3A_30 : memref<6912xi32, #tpu.memory_space<vmem>>[vector<16xi32>], vector<16xi32>, vector<16xi1>
    tpu.vector_store_idx %arg8[%add3A_28], %gather3A_9 masked %lt3A_30 : memref<6912xi32, #tpu.memory_space<vmem>>[vector<16xi32>], vector<16xi32>, vector<16xi1>
    %add3A_31 = arith.constant 48 : i32
    %add3A_32 = arith.addi %squeeze3A, %add3A_31 : i32
    %add3A_33 = vector.broadcast %add3A_32 : i32 to vector<16xi32>
    %add3A_34 = arith.addi %add3A_33, %iota3A : vector<16xi32>
    %lt3A_35 = vector.broadcast %shift_left3A_13 : i32 to vector<16xi32>
    %lt3A_36 = arith.cmpi slt, %add3A_34, %lt3A_35 : vector<16xi32>
    tpu.vector_store_idx %arg7[%add3A_34], %gather3A masked %lt3A_36 : memref<6912xi32, #tpu.memory_space<vmem>>[vector<16xi32>], vector<16xi32>, vector<16xi1>
    tpu.vector_store_idx %arg8[%add3A_34], %gather3A_9 masked %lt3A_36 : memref<6912xi32, #tpu.memory_space<vmem>>[vector<16xi32>], vector<16xi32>, vector<16xi1>
    %add3A_37 = arith.constant 64 : i32
    %add3A_38 = arith.addi %squeeze3A, %add3A_37 : i32
    %add3A_39 = vector.broadcast %add3A_38 : i32 to vector<16xi32>
    %add3A_40 = arith.addi %add3A_39, %iota3A : vector<16xi32>
    %lt3A_41 = vector.broadcast %shift_left3A_13 : i32 to vector<16xi32>
    %lt3A_42 = arith.cmpi slt, %add3A_40, %lt3A_41 : vector<16xi32>
    tpu.vector_store_idx %arg7[%add3A_40], %gather3A masked %lt3A_42 : memref<6912xi32, #tpu.memory_space<vmem>>[vector<16xi32>], vector<16xi32>, vector<16xi1>
    tpu.vector_store_idx %arg8[%add3A_40], %gather3A_9 masked %lt3A_42 : memref<6912xi32, #tpu.memory_space<vmem>>[vector<16xi32>], vector<16xi32>, vector<16xi1>
    %add3A_43 = arith.constant 80 : i32
    %add3A_44 = arith.addi %squeeze3A, %add3A_43 : i32
    %add3A_45 = vector.broadcast %add3A_44 : i32 to vector<16xi32>
    %add3A_46 = arith.addi %add3A_45, %iota3A : vector<16xi32>
    %lt3A_47 = vector.broadcast %shift_left3A_13 : i32 to vector<16xi32>
    %lt3A_48 = arith.cmpi slt, %add3A_46, %lt3A_47 : vector<16xi32>
    tpu.vector_store_idx %arg7[%add3A_46], %gather3A masked %lt3A_48 : memref<6912xi32, #tpu.memory_space<vmem>>[vector<16xi32>], vector<16xi32>, vector<16xi1>
    tpu.vector_store_idx %arg8[%add3A_46], %gather3A_9 masked %lt3A_48 : memref<6912xi32, #tpu.memory_space<vmem>>[vector<16xi32>], vector<16xi32>, vector<16xi1>
    %add3A_49 = arith.constant 96 : i32
    %add3A_50 = arith.addi %squeeze3A, %add3A_49 : i32
    %add3A_51 = vector.broadcast %add3A_50 : i32 to vector<16xi32>
    %add3A_52 = arith.addi %add3A_51, %iota3A : vector<16xi32>
    %lt3A_53 = vector.broadcast %shift_left3A_13 : i32 to vector<16xi32>
    %lt3A_54 = arith.cmpi slt, %add3A_52, %lt3A_53 : vector<16xi32>
    tpu.vector_store_idx %arg7[%add3A_52], %gather3A masked %lt3A_54 : memref<6912xi32, #tpu.memory_space<vmem>>[vector<16xi32>], vector<16xi32>, vector<16xi1>
    tpu.vector_store_idx %arg8[%add3A_52], %gather3A_9 masked %lt3A_54 : memref<6912xi32, #tpu.memory_space<vmem>>[vector<16xi32>], vector<16xi32>, vector<16xi1>
    %add3A_55 = arith.constant 112 : i32
    %add3A_56 = arith.addi %squeeze3A, %add3A_55 : i32
    %add3A_57 = vector.broadcast %add3A_56 : i32 to vector<16xi32>
    %add3A_58 = arith.addi %add3A_57, %iota3A : vector<16xi32>
    %lt3A_59 = vector.broadcast %shift_left3A_13 : i32 to vector<16xi32>
    %lt3A_60 = arith.cmpi slt, %add3A_58, %lt3A_59 : vector<16xi32>
    tpu.vector_store_idx %arg7[%add3A_58], %gather3A masked %lt3A_60 : memref<6912xi32, #tpu.memory_space<vmem>>[vector<16xi32>], vector<16xi32>, vector<16xi1>
    tpu.vector_store_idx %arg8[%add3A_58], %gather3A_9 masked %lt3A_60 : memref<6912xi32, #tpu.memory_space<vmem>>[vector<16xi32>], vector<16xi32>, vector<16xi1>
    %add3A_61 = arith.constant 128 : i32
    %add3A_62 = arith.addi %squeeze3A, %add3A_61 : i32
    %add3A_63 = vector.broadcast %add3A_62 : i32 to vector<16xi32>
    %add3A_64 = arith.addi %add3A_63, %iota3A : vector<16xi32>
    %lt3A_65 = vector.broadcast %shift_left3A_13 : i32 to vector<16xi32>
    %lt3A_66 = arith.cmpi slt, %add3A_64, %lt3A_65 : vector<16xi32>
    tpu.vector_store_idx %arg7[%add3A_64], %gather3A masked %lt3A_66 : memref<6912xi32, #tpu.memory_space<vmem>>[vector<16xi32>], vector<16xi32>, vector<16xi1>
    tpu.vector_store_idx %arg8[%add3A_64], %gather3A_9 masked %lt3A_66 : memref<6912xi32, #tpu.memory_space<vmem>>[vector<16xi32>], vector<16xi32>, vector<16xi1>
    %add3A_67 = arith.constant 144 : i32
    %add3A_68 = arith.addi %squeeze3A, %add3A_67 : i32
    %add3A_69 = vector.broadcast %add3A_68 : i32 to vector<16xi32>
    %add3A_70 = arith.addi %add3A_69, %iota3A : vector<16xi32>
    %lt3A_71 = vector.broadcast %shift_left3A_13 : i32 to vector<16xi32>
    %lt3A_72 = arith.cmpi slt, %add3A_70, %lt3A_71 : vector<16xi32>
    tpu.vector_store_idx %arg7[%add3A_70], %gather3A masked %lt3A_72 : memref<6912xi32, #tpu.memory_space<vmem>>[vector<16xi32>], vector<16xi32>, vector<16xi1>
    tpu.vector_store_idx %arg8[%add3A_70], %gather3A_9 masked %lt3A_72 : memref<6912xi32, #tpu.memory_space<vmem>>[vector<16xi32>], vector<16xi32>, vector<16xi1>
    %add3A_73 = arith.constant 160 : i32
    %add3A_74 = arith.addi %squeeze3A, %add3A_73 : i32
    %add3A_75 = vector.broadcast %add3A_74 : i32 to vector<16xi32>
    %add3A_76 = arith.addi %add3A_75, %iota3A : vector<16xi32>
    %lt3A_77 = vector.broadcast %shift_left3A_13 : i32 to vector<16xi32>
    %lt3A_78 = arith.cmpi slt, %add3A_76, %lt3A_77 : vector<16xi32>
    tpu.vector_store_idx %arg7[%add3A_76], %gather3A masked %lt3A_78 : memref<6912xi32, #tpu.memory_space<vmem>>[vector<16xi32>], vector<16xi32>, vector<16xi1>
    tpu.vector_store_idx %arg8[%add3A_76], %gather3A_9 masked %lt3A_78 : memref<6912xi32, #tpu.memory_space<vmem>>[vector<16xi32>], vector<16xi32>, vector<16xi1>
    %add3A_79 = arith.constant 176 : i32
    %add3A_80 = arith.addi %squeeze3A, %add3A_79 : i32
    %add3A_81 = vector.broadcast %add3A_80 : i32 to vector<16xi32>
    %add3A_82 = arith.addi %add3A_81, %iota3A : vector<16xi32>
    %lt3A_83 = vector.broadcast %shift_left3A_13 : i32 to vector<16xi32>
    %lt3A_84 = arith.cmpi slt, %add3A_82, %lt3A_83 : vector<16xi32>
    tpu.vector_store_idx %arg7[%add3A_82], %gather3A masked %lt3A_84 : memref<6912xi32, #tpu.memory_space<vmem>>[vector<16xi32>], vector<16xi32>, vector<16xi1>
    tpu.vector_store_idx %arg8[%add3A_82], %gather3A_9 masked %lt3A_84 : memref<6912xi32, #tpu.memory_space<vmem>>[vector<16xi32>], vector<16xi32>, vector<16xi1>
    %add3A_85 = arith.constant 192 : i32
    %add3A_86 = arith.addi %squeeze3A, %add3A_85 : i32
    %add3A_87 = vector.broadcast %add3A_86 : i32 to vector<16xi32>
    %add3A_88 = arith.addi %add3A_87, %iota3A : vector<16xi32>
    %lt3A_89 = vector.broadcast %shift_left3A_13 : i32 to vector<16xi32>
    %lt3A_90 = arith.cmpi slt, %add3A_88, %lt3A_89 : vector<16xi32>
    tpu.vector_store_idx %arg7[%add3A_88], %gather3A masked %lt3A_90 : memref<6912xi32, #tpu.memory_space<vmem>>[vector<16xi32>], vector<16xi32>, vector<16xi1>
    tpu.vector_store_idx %arg8[%add3A_88], %gather3A_9 masked %lt3A_90 : memref<6912xi32, #tpu.memory_space<vmem>>[vector<16xi32>], vector<16xi32>, vector<16xi1>
    %add3A_91 = arith.constant 208 : i32
    %add3A_92 = arith.addi %squeeze3A, %add3A_91 : i32
    %add3A_93 = vector.broadcast %add3A_92 : i32 to vector<16xi32>
    %add3A_94 = arith.addi %add3A_93, %iota3A : vector<16xi32>
    %lt3A_95 = vector.broadcast %shift_left3A_13 : i32 to vector<16xi32>
    %lt3A_96 = arith.cmpi slt, %add3A_94, %lt3A_95 : vector<16xi32>
    tpu.vector_store_idx %arg7[%add3A_94], %gather3A masked %lt3A_96 : memref<6912xi32, #tpu.memory_space<vmem>>[vector<16xi32>], vector<16xi32>, vector<16xi1>
    tpu.vector_store_idx %arg8[%add3A_94], %gather3A_9 masked %lt3A_96 : memref<6912xi32, #tpu.memory_space<vmem>>[vector<16xi32>], vector<16xi32>, vector<16xi1>
    %add3A_97 = arith.constant 224 : i32
    %add3A_98 = arith.addi %squeeze3A, %add3A_97 : i32
    %add3A_99 = vector.broadcast %add3A_98 : i32 to vector<16xi32>
    %add3A_100 = arith.addi %add3A_99, %iota3A : vector<16xi32>
    %lt3A_101 = vector.broadcast %shift_left3A_13 : i32 to vector<16xi32>
    %lt3A_102 = arith.cmpi slt, %add3A_100, %lt3A_101 : vector<16xi32>
    tpu.vector_store_idx %arg7[%add3A_100], %gather3A masked %lt3A_102 : memref<6912xi32, #tpu.memory_space<vmem>>[vector<16xi32>], vector<16xi32>, vector<16xi1>
    tpu.vector_store_idx %arg8[%add3A_100], %gather3A_9 masked %lt3A_102 : memref<6912xi32, #tpu.memory_space<vmem>>[vector<16xi32>], vector<16xi32>, vector<16xi1>
    %add3A_103 = arith.constant 240 : i32
    %add3A_104 = arith.addi %squeeze3A, %add3A_103 : i32
    %add3A_105 = vector.broadcast %add3A_104 : i32 to vector<16xi32>
    %add3A_106 = arith.addi %add3A_105, %iota3A : vector<16xi32>
    %lt3A_107 = vector.broadcast %shift_left3A_13 : i32 to vector<16xi32>
    %lt3A_108 = arith.cmpi slt, %add3A_106, %lt3A_107 : vector<16xi32>
    tpu.vector_store_idx %arg7[%add3A_106], %gather3A masked %lt3A_108 : memref<6912xi32, #tpu.memory_space<vmem>>[vector<16xi32>], vector<16xi32>, vector<16xi1>
    tpu.vector_store_idx %arg8[%add3A_106], %gather3A_9 masked %lt3A_108 : memref<6912xi32, #tpu.memory_space<vmem>>[vector<16xi32>], vector<16xi32>, vector<16xi1>
    %add3A_109 = arith.constant 256 : i32
    %add3A_110 = arith.addi %squeeze3A, %add3A_109 : i32
    %add3A_111 = vector.broadcast %add3A_110 : i32 to vector<16xi32>
    %add3A_112 = arith.addi %add3A_111, %iota3A : vector<16xi32>
    %lt3A_113 = vector.broadcast %shift_left3A_13 : i32 to vector<16xi32>
    %lt3A_114 = arith.cmpi slt, %add3A_112, %lt3A_113 : vector<16xi32>
    tpu.vector_store_idx %arg7[%add3A_112], %gather3A masked %lt3A_114 : memref<6912xi32, #tpu.memory_space<vmem>>[vector<16xi32>], vector<16xi32>, vector<16xi1>
    tpu.vector_store_idx %arg8[%add3A_112], %gather3A_9 masked %lt3A_114 : memref<6912xi32, #tpu.memory_space<vmem>>[vector<16xi32>], vector<16xi32>, vector<16xi1>
    %add3A_115 = arith.constant 272 : i32
    %add3A_116 = arith.addi %squeeze3A, %add3A_115 : i32
    %add3A_117 = vector.broadcast %add3A_116 : i32 to vector<16xi32>
    %add3A_118 = arith.addi %add3A_117, %iota3A : vector<16xi32>
    %lt3A_119 = vector.broadcast %shift_left3A_13 : i32 to vector<16xi32>
    %lt3A_120 = arith.cmpi slt, %add3A_118, %lt3A_119 : vector<16xi32>
    tpu.vector_store_idx %arg7[%add3A_118], %gather3A masked %lt3A_120 : memref<6912xi32, #tpu.memory_space<vmem>>[vector<16xi32>], vector<16xi32>, vector<16xi1>
    tpu.vector_store_idx %arg8[%add3A_118], %gather3A_9 masked %lt3A_120 : memref<6912xi32, #tpu.memory_space<vmem>>[vector<16xi32>], vector<16xi32>, vector<16xi1>
    %add3A_121 = arith.constant 288 : i32
    %add3A_122 = arith.addi %squeeze3A, %add3A_121 : i32
    %add3A_123 = vector.broadcast %add3A_122 : i32 to vector<16xi32>
    %add3A_124 = arith.addi %add3A_123, %iota3A : vector<16xi32>
    %lt3A_125 = vector.broadcast %shift_left3A_13 : i32 to vector<16xi32>
    %lt3A_126 = arith.cmpi slt, %add3A_124, %lt3A_125 : vector<16xi32>
    tpu.vector_store_idx %arg7[%add3A_124], %gather3A masked %lt3A_126 : memref<6912xi32, #tpu.memory_space<vmem>>[vector<16xi32>], vector<16xi32>, vector<16xi1>
    tpu.vector_store_idx %arg8[%add3A_124], %gather3A_9 masked %lt3A_126 : memref<6912xi32, #tpu.memory_space<vmem>>[vector<16xi32>], vector<16xi32>, vector<16xi1>
    %add3A_127 = arith.constant 304 : i32
    %add3A_128 = arith.addi %squeeze3A, %add3A_127 : i32
    %add3A_129 = vector.broadcast %add3A_128 : i32 to vector<16xi32>
    %add3A_130 = arith.addi %add3A_129, %iota3A : vector<16xi32>
    %lt3A_131 = vector.broadcast %shift_left3A_13 : i32 to vector<16xi32>
    %lt3A_132 = arith.cmpi slt, %add3A_130, %lt3A_131 : vector<16xi32>
    tpu.vector_store_idx %arg7[%add3A_130], %gather3A masked %lt3A_132 : memref<6912xi32, #tpu.memory_space<vmem>>[vector<16xi32>], vector<16xi32>, vector<16xi1>
    tpu.vector_store_idx %arg8[%add3A_130], %gather3A_9 masked %lt3A_132 : memref<6912xi32, #tpu.memory_space<vmem>>[vector<16xi32>], vector<16xi32>, vector<16xi1>
    %add3A_133 = arith.constant 320 : i32
    %add3A_134 = arith.addi %squeeze3A, %add3A_133 : i32
    %add3A_135 = vector.broadcast %add3A_134 : i32 to vector<16xi32>
    %add3A_136 = arith.addi %add3A_135, %iota3A : vector<16xi32>
    %lt3A_137 = vector.broadcast %shift_left3A_13 : i32 to vector<16xi32>
    %lt3A_138 = arith.cmpi slt, %add3A_136, %lt3A_137 : vector<16xi32>
    tpu.vector_store_idx %arg7[%add3A_136], %gather3A masked %lt3A_138 : memref<6912xi32, #tpu.memory_space<vmem>>[vector<16xi32>], vector<16xi32>, vector<16xi1>
    tpu.vector_store_idx %arg8[%add3A_136], %gather3A_9 masked %lt3A_138 : memref<6912xi32, #tpu.memory_space<vmem>>[vector<16xi32>], vector<16xi32>, vector<16xi1>
    %add3A_139 = arith.constant 336 : i32
    %add3A_140 = arith.addi %squeeze3A, %add3A_139 : i32
    %add3A_141 = vector.broadcast %add3A_140 : i32 to vector<16xi32>
    %add3A_142 = arith.addi %add3A_141, %iota3A : vector<16xi32>
    %lt3A_143 = vector.broadcast %shift_left3A_13 : i32 to vector<16xi32>
    %lt3A_144 = arith.cmpi slt, %add3A_142, %lt3A_143 : vector<16xi32>
    tpu.vector_store_idx %arg7[%add3A_142], %gather3A masked %lt3A_144 : memref<6912xi32, #tpu.memory_space<vmem>>[vector<16xi32>], vector<16xi32>, vector<16xi1>
    tpu.vector_store_idx %arg8[%add3A_142], %gather3A_9 masked %lt3A_144 : memref<6912xi32, #tpu.memory_space<vmem>>[vector<16xi32>], vector<16xi32>, vector<16xi1>
    %add3A_145 = arith.constant 352 : i32
    %add3A_146 = arith.addi %squeeze3A, %add3A_145 : i32
    %add3A_147 = vector.broadcast %add3A_146 : i32 to vector<16xi32>
    %add3A_148 = arith.addi %add3A_147, %iota3A : vector<16xi32>
    %lt3A_149 = vector.broadcast %shift_left3A_13 : i32 to vector<16xi32>
    %lt3A_150 = arith.cmpi slt, %add3A_148, %lt3A_149 : vector<16xi32>
    tpu.vector_store_idx %arg7[%add3A_148], %gather3A masked %lt3A_150 : memref<6912xi32, #tpu.memory_space<vmem>>[vector<16xi32>], vector<16xi32>, vector<16xi1>
    tpu.vector_store_idx %arg8[%add3A_148], %gather3A_9 masked %lt3A_150 : memref<6912xi32, #tpu.memory_space<vmem>>[vector<16xi32>], vector<16xi32>, vector<16xi1>
    %add3A_151 = arith.constant 368 : i32
    %add3A_152 = arith.addi %squeeze3A, %add3A_151 : i32
    %add3A_153 = vector.broadcast %add3A_152 : i32 to vector<16xi32>
    %add3A_154 = arith.addi %add3A_153, %iota3A : vector<16xi32>
    %lt3A_155 = vector.broadcast %shift_left3A_13 : i32 to vector<16xi32>
    %lt3A_156 = arith.cmpi slt, %add3A_154, %lt3A_155 : vector<16xi32>
    tpu.vector_store_idx %arg7[%add3A_154], %gather3A masked %lt3A_156 : memref<6912xi32, #tpu.memory_space<vmem>>[vector<16xi32>], vector<16xi32>, vector<16xi1>
    tpu.vector_store_idx %arg8[%add3A_154], %gather3A_9 masked %lt3A_156 : memref<6912xi32, #tpu.memory_space<vmem>>[vector<16xi32>], vector<16xi32>, vector<16xi1>
    %add3A_157 = arith.constant 384 : i32
    %add3A_158 = arith.addi %squeeze3A, %add3A_157 : i32
    %add3A_159 = vector.broadcast %add3A_158 : i32 to vector<16xi32>
    %add3A_160 = arith.addi %add3A_159, %iota3A : vector<16xi32>
    %lt3A_161 = vector.broadcast %shift_left3A_13 : i32 to vector<16xi32>
    %lt3A_162 = arith.cmpi slt, %add3A_160, %lt3A_161 : vector<16xi32>
    tpu.vector_store_idx %arg7[%add3A_160], %gather3A masked %lt3A_162 : memref<6912xi32, #tpu.memory_space<vmem>>[vector<16xi32>], vector<16xi32>, vector<16xi1>
    tpu.vector_store_idx %arg8[%add3A_160], %gather3A_9 masked %lt3A_162 : memref<6912xi32, #tpu.memory_space<vmem>>[vector<16xi32>], vector<16xi32>, vector<16xi1>
    %add3A_163 = arith.constant 400 : i32
    %add3A_164 = arith.addi %squeeze3A, %add3A_163 : i32
    %add3A_165 = vector.broadcast %add3A_164 : i32 to vector<16xi32>
    %add3A_166 = arith.addi %add3A_165, %iota3A : vector<16xi32>
    %lt3A_167 = vector.broadcast %shift_left3A_13 : i32 to vector<16xi32>
    %lt3A_168 = arith.cmpi slt, %add3A_166, %lt3A_167 : vector<16xi32>
    tpu.vector_store_idx %arg7[%add3A_166], %gather3A masked %lt3A_168 : memref<6912xi32, #tpu.memory_space<vmem>>[vector<16xi32>], vector<16xi32>, vector<16xi1>
    tpu.vector_store_idx %arg8[%add3A_166], %gather3A_9 masked %lt3A_168 : memref<6912xi32, #tpu.memory_space<vmem>>[vector<16xi32>], vector<16xi32>, vector<16xi1>
    %add3A_169 = arith.constant 416 : i32
    %add3A_170 = arith.addi %squeeze3A, %add3A_169 : i32
    %add3A_171 = vector.broadcast %add3A_170 : i32 to vector<16xi32>
    %add3A_172 = arith.addi %add3A_171, %iota3A : vector<16xi32>
    %lt3A_173 = vector.broadcast %shift_left3A_13 : i32 to vector<16xi32>
    %lt3A_174 = arith.cmpi slt, %add3A_172, %lt3A_173 : vector<16xi32>
    tpu.vector_store_idx %arg7[%add3A_172], %gather3A masked %lt3A_174 : memref<6912xi32, #tpu.memory_space<vmem>>[vector<16xi32>], vector<16xi32>, vector<16xi1>
    tpu.vector_store_idx %arg8[%add3A_172], %gather3A_9 masked %lt3A_174 : memref<6912xi32, #tpu.memory_space<vmem>>[vector<16xi32>], vector<16xi32>, vector<16xi1>
    %add3A_175 = arith.constant 432 : i32
    %add3A_176 = arith.addi %squeeze3A, %add3A_175 : i32
    %add3A_177 = vector.broadcast %add3A_176 : i32 to vector<16xi32>
    %add3A_178 = arith.addi %add3A_177, %iota3A : vector<16xi32>
    %lt3A_179 = vector.broadcast %shift_left3A_13 : i32 to vector<16xi32>
    %lt3A_180 = arith.cmpi slt, %add3A_178, %lt3A_179 : vector<16xi32>
    tpu.vector_store_idx %arg7[%add3A_178], %gather3A masked %lt3A_180 : memref<6912xi32, #tpu.memory_space<vmem>>[vector<16xi32>], vector<16xi32>, vector<16xi1>
    tpu.vector_store_idx %arg8[%add3A_178], %gather3A_9 masked %lt3A_180 : memref<6912xi32, #tpu.memory_space<vmem>>[vector<16xi32>], vector<16xi32>, vector<16xi1>
    %add3A_181 = arith.constant 448 : i32
    %add3A_182 = arith.addi %squeeze3A, %add3A_181 : i32
    %add3A_183 = vector.broadcast %add3A_182 : i32 to vector<16xi32>
    %add3A_184 = arith.addi %add3A_183, %iota3A : vector<16xi32>
    %lt3A_185 = vector.broadcast %shift_left3A_13 : i32 to vector<16xi32>
    %lt3A_186 = arith.cmpi slt, %add3A_184, %lt3A_185 : vector<16xi32>
    tpu.vector_store_idx %arg7[%add3A_184], %gather3A masked %lt3A_186 : memref<6912xi32, #tpu.memory_space<vmem>>[vector<16xi32>], vector<16xi32>, vector<16xi1>
    tpu.vector_store_idx %arg8[%add3A_184], %gather3A_9 masked %lt3A_186 : memref<6912xi32, #tpu.memory_space<vmem>>[vector<16xi32>], vector<16xi32>, vector<16xi1>
    %add3A_187 = arith.constant 464 : i32
    %add3A_188 = arith.addi %squeeze3A, %add3A_187 : i32
    %add3A_189 = vector.broadcast %add3A_188 : i32 to vector<16xi32>
    %add3A_190 = arith.addi %add3A_189, %iota3A : vector<16xi32>
    %lt3A_191 = vector.broadcast %shift_left3A_13 : i32 to vector<16xi32>
    %lt3A_192 = arith.cmpi slt, %add3A_190, %lt3A_191 : vector<16xi32>
    tpu.vector_store_idx %arg7[%add3A_190], %gather3A masked %lt3A_192 : memref<6912xi32, #tpu.memory_space<vmem>>[vector<16xi32>], vector<16xi32>, vector<16xi1>
    tpu.vector_store_idx %arg8[%add3A_190], %gather3A_9 masked %lt3A_192 : memref<6912xi32, #tpu.memory_space<vmem>>[vector<16xi32>], vector<16xi32>, vector<16xi1>
    %add3A_193 = arith.constant 480 : i32
    %add3A_194 = arith.addi %squeeze3A, %add3A_193 : i32
    %add3A_195 = vector.broadcast %add3A_194 : i32 to vector<16xi32>
    %add3A_196 = arith.addi %add3A_195, %iota3A : vector<16xi32>
    %lt3A_197 = vector.broadcast %shift_left3A_13 : i32 to vector<16xi32>
    %lt3A_198 = arith.cmpi slt, %add3A_196, %lt3A_197 : vector<16xi32>
    tpu.vector_store_idx %arg7[%add3A_196], %gather3A masked %lt3A_198 : memref<6912xi32, #tpu.memory_space<vmem>>[vector<16xi32>], vector<16xi32>, vector<16xi1>
    tpu.vector_store_idx %arg8[%add3A_196], %gather3A_9 masked %lt3A_198 : memref<6912xi32, #tpu.memory_space<vmem>>[vector<16xi32>], vector<16xi32>, vector<16xi1>
    %add3A_199 = arith.constant 496 : i32
    %add3A_200 = arith.addi %squeeze3A, %add3A_199 : i32
    %add3A_201 = vector.broadcast %add3A_200 : i32 to vector<16xi32>
    %add3A_202 = arith.addi %add3A_201, %iota3A : vector<16xi32>
    %lt3A_203 = vector.broadcast %shift_left3A_13 : i32 to vector<16xi32>
    %lt3A_204 = arith.cmpi slt, %add3A_202, %lt3A_203 : vector<16xi32>
    tpu.vector_store_idx %arg7[%add3A_202], %gather3A masked %lt3A_204 : memref<6912xi32, #tpu.memory_space<vmem>>[vector<16xi32>], vector<16xi32>, vector<16xi1>
    tpu.vector_store_idx %arg8[%add3A_202], %gather3A_9 masked %lt3A_204 : memref<6912xi32, #tpu.memory_space<vmem>>[vector<16xi32>], vector<16xi32>, vector<16xi1>
    %shift_right_arithmetic3A_205 = arith.constant 9 : i32
    %shift_right_arithmetic3A_206 = arith.shrsi %shift_left3A_13, %shift_right_arithmetic3A_205 : i32
    %while3A = arith.constant 0 : i32
    %while3A_207 = arith.constant 0 : i32
    %while3A_208 = arith.subi %shift_right_arithmetic3A_206, %while3A : i32
    %while3A_209 = arith.addi %while3A, %while3A_208 : i32
    %while3A_210 = arith.constant 1 : i32
    %while3A_211 = arith.divsi %while3A_208, %while3A_210 : i32
    %while3A_212 = arith.muli %while3A_211, %while3A_210 : i32
    %while3A_213 = arith.addi %while3A, %while3A_212 : i32
    %while3A_214 = arith.constant 1 : i32
    %while3A_215 = scf.for %while3A_434 = %while3A to %while3A_213 step %while3A_214 iter_args(%while3A_435 = %while3A_207) -> (i32)  : i32 {
      %mul3A_436 = arith.constant 4 : i32
      %mul3A_437 = arith.muli %while3A_434, %mul3A_436 : i32
      %add3A_438 = arith.constant 0 : i32
      %add3A_439 = arith.addi %mul3A_437, %add3A_438 : i32
      %mul3A_440 = arith.constant 128 : i32
      %mul3A_441 = arith.muli %add3A_439, %mul3A_440 : i32
      %dma_start3A = arith.constant 0 : i32
      %dma_start3A_442 = arith.constant 0 : i32
      %dma_start3A_443 = tpu.memref_slice %arg11[%dma_start3A, %dma_start3A_442] : memref<512x64xf32, #tpu.memory_space<vmem>> -> memref<128x64xf32, #tpu.memory_space<vmem>>
      %dma_start3A_444 = tpu.memref_slice %arg7[%mul3A_441] : memref<6912xi32, #tpu.memory_space<vmem>> -> memref<128xi32, #tpu.memory_space<vmem>>
      %dma_start3A_445 = arith.constant 0 : i32
      %dma_start3A_446 = arith.constant 0 : i32
      %dma_start3A_447 = tpu.memref_slice %arg3[%dma_start3A_445, %dma_start3A_446] : memref<500000x64xf32, #tpu.memory_space<hbm>> -> memref<500000x64xf32, #tpu.memory_space<hbm>>
      tpu.enqueue_indirect_dma source(%dma_start3A_447 : memref<500000x64xf32, #tpu.memory_space<hbm>>) target(%dma_start3A_443 : memref<128x64xf32, #tpu.memory_space<vmem>>) offsets(%dma_start3A_444 : memref<128xi32, #tpu.memory_space<vmem>>) semaphore(%arg12 : memref<!tpu.dma_semaphore, #tpu.memory_space<semaphore_mem>>)
      %mul3A_448 = arith.constant 4 : i32
      %mul3A_449 = arith.muli %while3A_434, %mul3A_448 : i32
      %add3A_450 = arith.constant 1 : i32
      %add3A_451 = arith.addi %mul3A_449, %add3A_450 : i32
      %mul3A_452 = arith.constant 128 : i32
      %mul3A_453 = arith.muli %add3A_451, %mul3A_452 : i32
      %dma_start3A_454 = arith.constant 128 : i32
      %dma_start3A_455 = arith.constant 0 : i32
      %dma_start3A_456 = tpu.memref_slice %arg11[%dma_start3A_454, %dma_start3A_455] : memref<512x64xf32, #tpu.memory_space<vmem>> -> memref<128x64xf32, #tpu.memory_space<vmem>>
      %dma_start3A_457 = tpu.memref_slice %arg7[%mul3A_453] : memref<6912xi32, #tpu.memory_space<vmem>> -> memref<128xi32, #tpu.memory_space<vmem>>
      %dma_start3A_458 = arith.constant 0 : i32
      %dma_start3A_459 = arith.constant 0 : i32
      %dma_start3A_460 = tpu.memref_slice %arg3[%dma_start3A_458, %dma_start3A_459] : memref<500000x64xf32, #tpu.memory_space<hbm>> -> memref<500000x64xf32, #tpu.memory_space<hbm>>
      tpu.enqueue_indirect_dma source(%dma_start3A_460 : memref<500000x64xf32, #tpu.memory_space<hbm>>) target(%dma_start3A_456 : memref<128x64xf32, #tpu.memory_space<vmem>>) offsets(%dma_start3A_457 : memref<128xi32, #tpu.memory_space<vmem>>) semaphore(%arg12 : memref<!tpu.dma_semaphore, #tpu.memory_space<semaphore_mem>>)
      %mul3A_461 = arith.constant 4 : i32
      %mul3A_462 = arith.muli %while3A_434, %mul3A_461 : i32
      %add3A_463 = arith.constant 2 : i32
      %add3A_464 = arith.addi %mul3A_462, %add3A_463 : i32
      %mul3A_465 = arith.constant 128 : i32
      %mul3A_466 = arith.muli %add3A_464, %mul3A_465 : i32
      %dma_start3A_467 = arith.constant 256 : i32
      %dma_start3A_468 = arith.constant 0 : i32
      %dma_start3A_469 = tpu.memref_slice %arg11[%dma_start3A_467, %dma_start3A_468] : memref<512x64xf32, #tpu.memory_space<vmem>> -> memref<128x64xf32, #tpu.memory_space<vmem>>
      %dma_start3A_470 = tpu.memref_slice %arg7[%mul3A_466] : memref<6912xi32, #tpu.memory_space<vmem>> -> memref<128xi32, #tpu.memory_space<vmem>>
      %dma_start3A_471 = arith.constant 0 : i32
      %dma_start3A_472 = arith.constant 0 : i32
      %dma_start3A_473 = tpu.memref_slice %arg3[%dma_start3A_471, %dma_start3A_472] : memref<500000x64xf32, #tpu.memory_space<hbm>> -> memref<500000x64xf32, #tpu.memory_space<hbm>>
      tpu.enqueue_indirect_dma source(%dma_start3A_473 : memref<500000x64xf32, #tpu.memory_space<hbm>>) target(%dma_start3A_469 : memref<128x64xf32, #tpu.memory_space<vmem>>) offsets(%dma_start3A_470 : memref<128xi32, #tpu.memory_space<vmem>>) semaphore(%arg12 : memref<!tpu.dma_semaphore, #tpu.memory_space<semaphore_mem>>)
      %mul3A_474 = arith.constant 4 : i32
      %mul3A_475 = arith.muli %while3A_434, %mul3A_474 : i32
      %add3A_476 = arith.constant 3 : i32
      %add3A_477 = arith.addi %mul3A_475, %add3A_476 : i32
      %mul3A_478 = arith.constant 128 : i32
      %mul3A_479 = arith.muli %add3A_477, %mul3A_478 : i32
      %dma_start3A_480 = arith.constant 384 : i32
      %dma_start3A_481 = arith.constant 0 : i32
      %dma_start3A_482 = tpu.memref_slice %arg11[%dma_start3A_480, %dma_start3A_481] : memref<512x64xf32, #tpu.memory_space<vmem>> -> memref<128x64xf32, #tpu.memory_space<vmem>>
      %dma_start3A_483 = tpu.memref_slice %arg7[%mul3A_479] : memref<6912xi32, #tpu.memory_space<vmem>> -> memref<128xi32, #tpu.memory_space<vmem>>
      %dma_start3A_484 = arith.constant 0 : i32
      %dma_start3A_485 = arith.constant 0 : i32
      %dma_start3A_486 = tpu.memref_slice %arg3[%dma_start3A_484, %dma_start3A_485] : memref<500000x64xf32, #tpu.memory_space<hbm>> -> memref<500000x64xf32, #tpu.memory_space<hbm>>
      tpu.enqueue_indirect_dma source(%dma_start3A_486 : memref<500000x64xf32, #tpu.memory_space<hbm>>) target(%dma_start3A_482 : memref<128x64xf32, #tpu.memory_space<vmem>>) offsets(%dma_start3A_483 : memref<128xi32, #tpu.memory_space<vmem>>) semaphore(%arg12 : memref<!tpu.dma_semaphore, #tpu.memory_space<semaphore_mem>>)
      %dma_wait3A = arith.constant 0 : i32
      %dma_wait3A_487 = arith.constant 0 : i32
      %dma_wait3A_488 = tpu.memref_slice %arg11[%dma_wait3A, %dma_wait3A_487] : memref<512x64xf32, #tpu.memory_space<vmem>> -> memref<128x64xf32, #tpu.memory_space<vmem>>
      %dma_wait3A_489 = tpu.memref_slice %arg7[%mul3A_441] : memref<6912xi32, #tpu.memory_space<vmem>> -> memref<128xi32, #tpu.memory_space<vmem>>
      %dma_wait3A_490 = arith.constant 0 : i32
      %dma_wait3A_491 = arith.constant 0 : i32
      %dma_wait3A_492 = tpu.memref_slice %arg3[%dma_wait3A_490, %dma_wait3A_491] : memref<500000x64xf32, #tpu.memory_space<hbm>> -> memref<500000x64xf32, #tpu.memory_space<hbm>>
      tpu.wait_indirect_dma semaphore(%arg12 : memref<!tpu.dma_semaphore, #tpu.memory_space<semaphore_mem>>) src(%dma_wait3A_492 : memref<500000x64xf32, #tpu.memory_space<hbm>>) dst(%dma_wait3A_488 : memref<128x64xf32, #tpu.memory_space<vmem>>)
      %dma_wait3A_493 = arith.constant 128 : i32
      %dma_wait3A_494 = arith.constant 0 : i32
      %dma_wait3A_495 = tpu.memref_slice %arg11[%dma_wait3A_493, %dma_wait3A_494] : memref<512x64xf32, #tpu.memory_space<vmem>> -> memref<128x64xf32, #tpu.memory_space<vmem>>
      %dma_wait3A_496 = tpu.memref_slice %arg7[%mul3A_453] : memref<6912xi32, #tpu.memory_space<vmem>> -> memref<128xi32, #tpu.memory_space<vmem>>
      %dma_wait3A_497 = arith.constant 0 : i32
      %dma_wait3A_498 = arith.constant 0 : i32
      %dma_wait3A_499 = tpu.memref_slice %arg3[%dma_wait3A_497, %dma_wait3A_498] : memref<500000x64xf32, #tpu.memory_space<hbm>> -> memref<500000x64xf32, #tpu.memory_space<hbm>>
      tpu.wait_indirect_dma semaphore(%arg12 : memref<!tpu.dma_semaphore, #tpu.memory_space<semaphore_mem>>) src(%dma_wait3A_499 : memref<500000x64xf32, #tpu.memory_space<hbm>>) dst(%dma_wait3A_495 : memref<128x64xf32, #tpu.memory_space<vmem>>)
      %dma_wait3A_500 = arith.constant 256 : i32
      %dma_wait3A_501 = arith.constant 0 : i32
      %dma_wait3A_502 = tpu.memref_slice %arg11[%dma_wait3A_500, %dma_wait3A_501] : memref<512x64xf32, #tpu.memory_space<vmem>> -> memref<128x64xf32, #tpu.memory_space<vmem>>
      %dma_wait3A_503 = tpu.memref_slice %arg7[%mul3A_466] : memref<6912xi32, #tpu.memory_space<vmem>> -> memref<128xi32, #tpu.memory_space<vmem>>
      %dma_wait3A_504 = arith.constant 0 : i32
      %dma_wait3A_505 = arith.constant 0 : i32
      %dma_wait3A_506 = tpu.memref_slice %arg3[%dma_wait3A_504, %dma_wait3A_505] : memref<500000x64xf32, #tpu.memory_space<hbm>> -> memref<500000x64xf32, #tpu.memory_space<hbm>>
      tpu.wait_indirect_dma semaphore(%arg12 : memref<!tpu.dma_semaphore, #tpu.memory_space<semaphore_mem>>) src(%dma_wait3A_506 : memref<500000x64xf32, #tpu.memory_space<hbm>>) dst(%dma_wait3A_502 : memref<128x64xf32, #tpu.memory_space<vmem>>)
      %dma_wait3A_507 = arith.constant 384 : i32
      %dma_wait3A_508 = arith.constant 0 : i32
      %dma_wait3A_509 = tpu.memref_slice %arg11[%dma_wait3A_507, %dma_wait3A_508] : memref<512x64xf32, #tpu.memory_space<vmem>> -> memref<128x64xf32, #tpu.memory_space<vmem>>
      %dma_wait3A_510 = tpu.memref_slice %arg7[%mul3A_479] : memref<6912xi32, #tpu.memory_space<vmem>> -> memref<128xi32, #tpu.memory_space<vmem>>
      %dma_wait3A_511 = arith.constant 0 : i32
      %dma_wait3A_512 = arith.constant 0 : i32
      %dma_wait3A_513 = tpu.memref_slice %arg3[%dma_wait3A_511, %dma_wait3A_512] : memref<500000x64xf32, #tpu.memory_space<hbm>> -> memref<500000x64xf32, #tpu.memory_space<hbm>>
      tpu.wait_indirect_dma semaphore(%arg12 : memref<!tpu.dma_semaphore, #tpu.memory_space<semaphore_mem>>) src(%dma_wait3A_513 : memref<500000x64xf32, #tpu.memory_space<hbm>>) dst(%dma_wait3A_509 : memref<128x64xf32, #tpu.memory_space<vmem>>)
      %mul3A_514 = arith.constant 4 : i32
      %mul3A_515 = arith.muli %while3A_434, %mul3A_514 : i32
      %add3A_516 = arith.constant 0 : i32
      %add3A_517 = arith.addi %mul3A_515, %add3A_516 : i32
      %mul3A_518 = arith.constant 128 : i32
      %mul3A_519 = arith.muli %add3A_517, %mul3A_518 : i32
      %dma_start3A_520 = arith.constant 0 : i32
      %dma_start3A_521 = arith.constant 0 : i32
      %dma_start3A_522 = tpu.memref_slice %arg11[%dma_start3A_520, %dma_start3A_521] : memref<512x64xf32, #tpu.memory_space<vmem>> -> memref<128x64xf32, #tpu.memory_space<vmem>>
      %dma_start3A_523 = tpu.memref_slice %arg8[%mul3A_519] : memref<6912xi32, #tpu.memory_space<vmem>> -> memref<128xi32, #tpu.memory_space<vmem>>
      %dma_start3A_524 = arith.constant 0 : i32
      %dma_start3A_525 = arith.constant 0 : i32
      %dma_start3A_526 = tpu.memref_slice %arg5[%dma_start3A_524, %dma_start3A_525] : memref<204800x64xf32, #tpu.memory_space<hbm>> -> memref<204800x64xf32, #tpu.memory_space<hbm>>
      tpu.enqueue_indirect_dma source(%dma_start3A_522 : memref<128x64xf32, #tpu.memory_space<vmem>>) target(%dma_start3A_526 : memref<204800x64xf32, #tpu.memory_space<hbm>>) offsets(%dma_start3A_523 : memref<128xi32, #tpu.memory_space<vmem>>) semaphore(%arg13 : memref<!tpu.dma_semaphore, #tpu.memory_space<semaphore_mem>>)
      %mul3A_527 = arith.constant 4 : i32
      %mul3A_528 = arith.muli %while3A_434, %mul3A_527 : i32
      %add3A_529 = arith.constant 1 : i32
      %add3A_530 = arith.addi %mul3A_528, %add3A_529 : i32
      %mul3A_531 = arith.constant 128 : i32
      %mul3A_532 = arith.muli %add3A_530, %mul3A_531 : i32
      %dma_start3A_533 = arith.constant 128 : i32
      %dma_start3A_534 = arith.constant 0 : i32
      %dma_start3A_535 = tpu.memref_slice %arg11[%dma_start3A_533, %dma_start3A_534] : memref<512x64xf32, #tpu.memory_space<vmem>> -> memref<128x64xf32, #tpu.memory_space<vmem>>
      %dma_start3A_536 = tpu.memref_slice %arg8[%mul3A_532] : memref<6912xi32, #tpu.memory_space<vmem>> -> memref<128xi32, #tpu.memory_space<vmem>>
      %dma_start3A_537 = arith.constant 0 : i32
      %dma_start3A_538 = arith.constant 0 : i32
      %dma_start3A_539 = tpu.memref_slice %arg5[%dma_start3A_537, %dma_start3A_538] : memref<204800x64xf32, #tpu.memory_space<hbm>> -> memref<204800x64xf32, #tpu.memory_space<hbm>>
      tpu.enqueue_indirect_dma source(%dma_start3A_535 : memref<128x64xf32, #tpu.memory_space<vmem>>) target(%dma_start3A_539 : memref<204800x64xf32, #tpu.memory_space<hbm>>) offsets(%dma_start3A_536 : memref<128xi32, #tpu.memory_space<vmem>>) semaphore(%arg13 : memref<!tpu.dma_semaphore, #tpu.memory_space<semaphore_mem>>)
      %mul3A_540 = arith.constant 4 : i32
      %mul3A_541 = arith.muli %while3A_434, %mul3A_540 : i32
      %add3A_542 = arith.constant 2 : i32
      %add3A_543 = arith.addi %mul3A_541, %add3A_542 : i32
      %mul3A_544 = arith.constant 128 : i32
      %mul3A_545 = arith.muli %add3A_543, %mul3A_544 : i32
      %dma_start3A_546 = arith.constant 256 : i32
      %dma_start3A_547 = arith.constant 0 : i32
      %dma_start3A_548 = tpu.memref_slice %arg11[%dma_start3A_546, %dma_start3A_547] : memref<512x64xf32, #tpu.memory_space<vmem>> -> memref<128x64xf32, #tpu.memory_space<vmem>>
      %dma_start3A_549 = tpu.memref_slice %arg8[%mul3A_545] : memref<6912xi32, #tpu.memory_space<vmem>> -> memref<128xi32, #tpu.memory_space<vmem>>
      %dma_start3A_550 = arith.constant 0 : i32
      %dma_start3A_551 = arith.constant 0 : i32
      %dma_start3A_552 = tpu.memref_slice %arg5[%dma_start3A_550, %dma_start3A_551] : memref<204800x64xf32, #tpu.memory_space<hbm>> -> memref<204800x64xf32, #tpu.memory_space<hbm>>
      tpu.enqueue_indirect_dma source(%dma_start3A_548 : memref<128x64xf32, #tpu.memory_space<vmem>>) target(%dma_start3A_552 : memref<204800x64xf32, #tpu.memory_space<hbm>>) offsets(%dma_start3A_549 : memref<128xi32, #tpu.memory_space<vmem>>) semaphore(%arg13 : memref<!tpu.dma_semaphore, #tpu.memory_space<semaphore_mem>>)
      %mul3A_553 = arith.constant 4 : i32
      %mul3A_554 = arith.muli %while3A_434, %mul3A_553 : i32
      %add3A_555 = arith.constant 3 : i32
      %add3A_556 = arith.addi %mul3A_554, %add3A_555 : i32
      %mul3A_557 = arith.constant 128 : i32
      %mul3A_558 = arith.muli %add3A_556, %mul3A_557 : i32
      %dma_start3A_559 = arith.constant 384 : i32
      %dma_start3A_560 = arith.constant 0 : i32
      %dma_start3A_561 = tpu.memref_slice %arg11[%dma_start3A_559, %dma_start3A_560] : memref<512x64xf32, #tpu.memory_space<vmem>> -> memref<128x64xf32, #tpu.memory_space<vmem>>
      %dma_start3A_562 = tpu.memref_slice %arg8[%mul3A_558] : memref<6912xi32, #tpu.memory_space<vmem>> -> memref<128xi32, #tpu.memory_space<vmem>>
      %dma_start3A_563 = arith.constant 0 : i32
      %dma_start3A_564 = arith.constant 0 : i32
      %dma_start3A_565 = tpu.memref_slice %arg5[%dma_start3A_563, %dma_start3A_564] : memref<204800x64xf32, #tpu.memory_space<hbm>> -> memref<204800x64xf32, #tpu.memory_space<hbm>>
      tpu.enqueue_indirect_dma source(%dma_start3A_561 : memref<128x64xf32, #tpu.memory_space<vmem>>) target(%dma_start3A_565 : memref<204800x64xf32, #tpu.memory_space<hbm>>) offsets(%dma_start3A_562 : memref<128xi32, #tpu.memory_space<vmem>>) semaphore(%arg13 : memref<!tpu.dma_semaphore, #tpu.memory_space<semaphore_mem>>)
      %dma_wait3A_566 = arith.constant 0 : i32
      %dma_wait3A_567 = arith.constant 0 : i32
      %dma_wait3A_568 = tpu.memref_slice %arg11[%dma_wait3A_566, %dma_wait3A_567] : memref<512x64xf32, #tpu.memory_space<vmem>> -> memref<128x64xf32, #tpu.memory_space<vmem>>
      %dma_wait3A_569 = tpu.memref_slice %arg8[%mul3A_519] : memref<6912xi32, #tpu.memory_space<vmem>> -> memref<128xi32, #tpu.memory_space<vmem>>
      %dma_wait3A_570 = arith.constant 0 : i32
      %dma_wait3A_571 = arith.constant 0 : i32
      %dma_wait3A_572 = tpu.memref_slice %arg5[%dma_wait3A_570, %dma_wait3A_571] : memref<204800x64xf32, #tpu.memory_space<hbm>> -> memref<204800x64xf32, #tpu.memory_space<hbm>>
      tpu.wait_indirect_dma semaphore(%arg13 : memref<!tpu.dma_semaphore, #tpu.memory_space<semaphore_mem>>) src(%dma_wait3A_568 : memref<128x64xf32, #tpu.memory_space<vmem>>) dst(%dma_wait3A_572 : memref<204800x64xf32, #tpu.memory_space<hbm>>)
      %dma_wait3A_573 = arith.constant 128 : i32
      %dma_wait3A_574 = arith.constant 0 : i32
      %dma_wait3A_575 = tpu.memref_slice %arg11[%dma_wait3A_573, %dma_wait3A_574] : memref<512x64xf32, #tpu.memory_space<vmem>> -> memref<128x64xf32, #tpu.memory_space<vmem>>
      %dma_wait3A_576 = tpu.memref_slice %arg8[%mul3A_532] : memref<6912xi32, #tpu.memory_space<vmem>> -> memref<128xi32, #tpu.memory_space<vmem>>
      %dma_wait3A_577 = arith.constant 0 : i32
      %dma_wait3A_578 = arith.constant 0 : i32
      %dma_wait3A_579 = tpu.memref_slice %arg5[%dma_wait3A_577, %dma_wait3A_578] : memref<204800x64xf32, #tpu.memory_space<hbm>> -> memref<204800x64xf32, #tpu.memory_space<hbm>>
      tpu.wait_indirect_dma semaphore(%arg13 : memref<!tpu.dma_semaphore, #tpu.memory_space<semaphore_mem>>) src(%dma_wait3A_575 : memref<128x64xf32, #tpu.memory_space<vmem>>) dst(%dma_wait3A_579 : memref<204800x64xf32, #tpu.memory_space<hbm>>)
      %dma_wait3A_580 = arith.constant 256 : i32
      %dma_wait3A_581 = arith.constant 0 : i32
      %dma_wait3A_582 = tpu.memref_slice %arg11[%dma_wait3A_580, %dma_wait3A_581] : memref<512x64xf32, #tpu.memory_space<vmem>> -> memref<128x64xf32, #tpu.memory_space<vmem>>
      %dma_wait3A_583 = tpu.memref_slice %arg8[%mul3A_545] : memref<6912xi32, #tpu.memory_space<vmem>> -> memref<128xi32, #tpu.memory_space<vmem>>
      %dma_wait3A_584 = arith.constant 0 : i32
      %dma_wait3A_585 = arith.constant 0 : i32
      %dma_wait3A_586 = tpu.memref_slice %arg5[%dma_wait3A_584, %dma_wait3A_585] : memref<204800x64xf32, #tpu.memory_space<hbm>> -> memref<204800x64xf32, #tpu.memory_space<hbm>>
      tpu.wait_indirect_dma semaphore(%arg13 : memref<!tpu.dma_semaphore, #tpu.memory_space<semaphore_mem>>) src(%dma_wait3A_582 : memref<128x64xf32, #tpu.memory_space<vmem>>) dst(%dma_wait3A_586 : memref<204800x64xf32, #tpu.memory_space<hbm>>)
      %dma_wait3A_587 = arith.constant 384 : i32
      %dma_wait3A_588 = arith.constant 0 : i32
      %dma_wait3A_589 = tpu.memref_slice %arg11[%dma_wait3A_587, %dma_wait3A_588] : memref<512x64xf32, #tpu.memory_space<vmem>> -> memref<128x64xf32, #tpu.memory_space<vmem>>
      %dma_wait3A_590 = tpu.memref_slice %arg8[%mul3A_558] : memref<6912xi32, #tpu.memory_space<vmem>> -> memref<128xi32, #tpu.memory_space<vmem>>
      %dma_wait3A_591 = arith.constant 0 : i32
      %dma_wait3A_592 = arith.constant 0 : i32
      %dma_wait3A_593 = tpu.memref_slice %arg5[%dma_wait3A_591, %dma_wait3A_592] : memref<204800x64xf32, #tpu.memory_space<hbm>> -> memref<204800x64xf32, #tpu.memory_space<hbm>>
      tpu.wait_indirect_dma semaphore(%arg13 : memref<!tpu.dma_semaphore, #tpu.memory_space<semaphore_mem>>) src(%dma_wait3A_589 : memref<128x64xf32, #tpu.memory_space<vmem>>) dst(%dma_wait3A_593 : memref<204800x64xf32, #tpu.memory_space<hbm>>)
      %while3A_594 = arith.constant 0 : i32
      scf.yield %while3A_594 : i32
    }
    %while3A_216 = arith.constant 1 : i32
    %while3A_217 = scf.for %while3A_434 = %while3A_213 to %while3A_209 step %while3A_216 iter_args(%while3A_435 = %while3A_215) -> (i32)  : i32 {
      %mul3A_436 = arith.constant 4 : i32
      %mul3A_437 = arith.muli %while3A_434, %mul3A_436 : i32
      %add3A_438 = arith.constant 0 : i32
      %add3A_439 = arith.addi %mul3A_437, %add3A_438 : i32
      %mul3A_440 = arith.constant 128 : i32
      %mul3A_441 = arith.muli %add3A_439, %mul3A_440 : i32
      %dma_start3A = arith.constant 0 : i32
      %dma_start3A_442 = arith.constant 0 : i32
      %dma_start3A_443 = tpu.memref_slice %arg11[%dma_start3A, %dma_start3A_442] : memref<512x64xf32, #tpu.memory_space<vmem>> -> memref<128x64xf32, #tpu.memory_space<vmem>>
      %dma_start3A_444 = tpu.memref_slice %arg7[%mul3A_441] : memref<6912xi32, #tpu.memory_space<vmem>> -> memref<128xi32, #tpu.memory_space<vmem>>
      %dma_start3A_445 = arith.constant 0 : i32
      %dma_start3A_446 = arith.constant 0 : i32
      %dma_start3A_447 = tpu.memref_slice %arg3[%dma_start3A_445, %dma_start3A_446] : memref<500000x64xf32, #tpu.memory_space<hbm>> -> memref<500000x64xf32, #tpu.memory_space<hbm>>
      tpu.enqueue_indirect_dma source(%dma_start3A_447 : memref<500000x64xf32, #tpu.memory_space<hbm>>) target(%dma_start3A_443 : memref<128x64xf32, #tpu.memory_space<vmem>>) offsets(%dma_start3A_444 : memref<128xi32, #tpu.memory_space<vmem>>) semaphore(%arg12 : memref<!tpu.dma_semaphore, #tpu.memory_space<semaphore_mem>>)
      %mul3A_448 = arith.constant 4 : i32
      %mul3A_449 = arith.muli %while3A_434, %mul3A_448 : i32
      %add3A_450 = arith.constant 1 : i32
      %add3A_451 = arith.addi %mul3A_449, %add3A_450 : i32
      %mul3A_452 = arith.constant 128 : i32
      %mul3A_453 = arith.muli %add3A_451, %mul3A_452 : i32
      %dma_start3A_454 = arith.constant 128 : i32
      %dma_start3A_455 = arith.constant 0 : i32
      %dma_start3A_456 = tpu.memref_slice %arg11[%dma_start3A_454, %dma_start3A_455] : memref<512x64xf32, #tpu.memory_space<vmem>> -> memref<128x64xf32, #tpu.memory_space<vmem>>
      %dma_start3A_457 = tpu.memref_slice %arg7[%mul3A_453] : memref<6912xi32, #tpu.memory_space<vmem>> -> memref<128xi32, #tpu.memory_space<vmem>>
      %dma_start3A_458 = arith.constant 0 : i32
      %dma_start3A_459 = arith.constant 0 : i32
      %dma_start3A_460 = tpu.memref_slice %arg3[%dma_start3A_458, %dma_start3A_459] : memref<500000x64xf32, #tpu.memory_space<hbm>> -> memref<500000x64xf32, #tpu.memory_space<hbm>>
      tpu.enqueue_indirect_dma source(%dma_start3A_460 : memref<500000x64xf32, #tpu.memory_space<hbm>>) target(%dma_start3A_456 : memref<128x64xf32, #tpu.memory_space<vmem>>) offsets(%dma_start3A_457 : memref<128xi32, #tpu.memory_space<vmem>>) semaphore(%arg12 : memref<!tpu.dma_semaphore, #tpu.memory_space<semaphore_mem>>)
      %mul3A_461 = arith.constant 4 : i32
      %mul3A_462 = arith.muli %while3A_434, %mul3A_461 : i32
      %add3A_463 = arith.constant 2 : i32
      %add3A_464 = arith.addi %mul3A_462, %add3A_463 : i32
      %mul3A_465 = arith.constant 128 : i32
      %mul3A_466 = arith.muli %add3A_464, %mul3A_465 : i32
      %dma_start3A_467 = arith.constant 256 : i32
      %dma_start3A_468 = arith.constant 0 : i32
      %dma_start3A_469 = tpu.memref_slice %arg11[%dma_start3A_467, %dma_start3A_468] : memref<512x64xf32, #tpu.memory_space<vmem>> -> memref<128x64xf32, #tpu.memory_space<vmem>>
      %dma_start3A_470 = tpu.memref_slice %arg7[%mul3A_466] : memref<6912xi32, #tpu.memory_space<vmem>> -> memref<128xi32, #tpu.memory_space<vmem>>
      %dma_start3A_471 = arith.constant 0 : i32
      %dma_start3A_472 = arith.constant 0 : i32
      %dma_start3A_473 = tpu.memref_slice %arg3[%dma_start3A_471, %dma_start3A_472] : memref<500000x64xf32, #tpu.memory_space<hbm>> -> memref<500000x64xf32, #tpu.memory_space<hbm>>
      tpu.enqueue_indirect_dma source(%dma_start3A_473 : memref<500000x64xf32, #tpu.memory_space<hbm>>) target(%dma_start3A_469 : memref<128x64xf32, #tpu.memory_space<vmem>>) offsets(%dma_start3A_470 : memref<128xi32, #tpu.memory_space<vmem>>) semaphore(%arg12 : memref<!tpu.dma_semaphore, #tpu.memory_space<semaphore_mem>>)
      %mul3A_474 = arith.constant 4 : i32
      %mul3A_475 = arith.muli %while3A_434, %mul3A_474 : i32
      %add3A_476 = arith.constant 3 : i32
      %add3A_477 = arith.addi %mul3A_475, %add3A_476 : i32
      %mul3A_478 = arith.constant 128 : i32
      %mul3A_479 = arith.muli %add3A_477, %mul3A_478 : i32
      %dma_start3A_480 = arith.constant 384 : i32
      %dma_start3A_481 = arith.constant 0 : i32
      %dma_start3A_482 = tpu.memref_slice %arg11[%dma_start3A_480, %dma_start3A_481] : memref<512x64xf32, #tpu.memory_space<vmem>> -> memref<128x64xf32, #tpu.memory_space<vmem>>
      %dma_start3A_483 = tpu.memref_slice %arg7[%mul3A_479] : memref<6912xi32, #tpu.memory_space<vmem>> -> memref<128xi32, #tpu.memory_space<vmem>>
      %dma_start3A_484 = arith.constant 0 : i32
      %dma_start3A_485 = arith.constant 0 : i32
      %dma_start3A_486 = tpu.memref_slice %arg3[%dma_start3A_484, %dma_start3A_485] : memref<500000x64xf32, #tpu.memory_space<hbm>> -> memref<500000x64xf32, #tpu.memory_space<hbm>>
      tpu.enqueue_indirect_dma source(%dma_start3A_486 : memref<500000x64xf32, #tpu.memory_space<hbm>>) target(%dma_start3A_482 : memref<128x64xf32, #tpu.memory_space<vmem>>) offsets(%dma_start3A_483 : memref<128xi32, #tpu.memory_space<vmem>>) semaphore(%arg12 : memref<!tpu.dma_semaphore, #tpu.memory_space<semaphore_mem>>)
      %dma_wait3A = arith.constant 0 : i32
      %dma_wait3A_487 = arith.constant 0 : i32
      %dma_wait3A_488 = tpu.memref_slice %arg11[%dma_wait3A, %dma_wait3A_487] : memref<512x64xf32, #tpu.memory_space<vmem>> -> memref<128x64xf32, #tpu.memory_space<vmem>>
      %dma_wait3A_489 = tpu.memref_slice %arg7[%mul3A_441] : memref<6912xi32, #tpu.memory_space<vmem>> -> memref<128xi32, #tpu.memory_space<vmem>>
      %dma_wait3A_490 = arith.constant 0 : i32
      %dma_wait3A_491 = arith.constant 0 : i32
      %dma_wait3A_492 = tpu.memref_slice %arg3[%dma_wait3A_490, %dma_wait3A_491] : memref<500000x64xf32, #tpu.memory_space<hbm>> -> memref<500000x64xf32, #tpu.memory_space<hbm>>
      tpu.wait_indirect_dma semaphore(%arg12 : memref<!tpu.dma_semaphore, #tpu.memory_space<semaphore_mem>>) src(%dma_wait3A_492 : memref<500000x64xf32, #tpu.memory_space<hbm>>) dst(%dma_wait3A_488 : memref<128x64xf32, #tpu.memory_space<vmem>>)
      %dma_wait3A_493 = arith.constant 128 : i32
      %dma_wait3A_494 = arith.constant 0 : i32
      %dma_wait3A_495 = tpu.memref_slice %arg11[%dma_wait3A_493, %dma_wait3A_494] : memref<512x64xf32, #tpu.memory_space<vmem>> -> memref<128x64xf32, #tpu.memory_space<vmem>>
      %dma_wait3A_496 = tpu.memref_slice %arg7[%mul3A_453] : memref<6912xi32, #tpu.memory_space<vmem>> -> memref<128xi32, #tpu.memory_space<vmem>>
      %dma_wait3A_497 = arith.constant 0 : i32
      %dma_wait3A_498 = arith.constant 0 : i32
      %dma_wait3A_499 = tpu.memref_slice %arg3[%dma_wait3A_497, %dma_wait3A_498] : memref<500000x64xf32, #tpu.memory_space<hbm>> -> memref<500000x64xf32, #tpu.memory_space<hbm>>
      tpu.wait_indirect_dma semaphore(%arg12 : memref<!tpu.dma_semaphore, #tpu.memory_space<semaphore_mem>>) src(%dma_wait3A_499 : memref<500000x64xf32, #tpu.memory_space<hbm>>) dst(%dma_wait3A_495 : memref<128x64xf32, #tpu.memory_space<vmem>>)
      %dma_wait3A_500 = arith.constant 256 : i32
      %dma_wait3A_501 = arith.constant 0 : i32
      %dma_wait3A_502 = tpu.memref_slice %arg11[%dma_wait3A_500, %dma_wait3A_501] : memref<512x64xf32, #tpu.memory_space<vmem>> -> memref<128x64xf32, #tpu.memory_space<vmem>>
      %dma_wait3A_503 = tpu.memref_slice %arg7[%mul3A_466] : memref<6912xi32, #tpu.memory_space<vmem>> -> memref<128xi32, #tpu.memory_space<vmem>>
      %dma_wait3A_504 = arith.constant 0 : i32
      %dma_wait3A_505 = arith.constant 0 : i32
      %dma_wait3A_506 = tpu.memref_slice %arg3[%dma_wait3A_504, %dma_wait3A_505] : memref<500000x64xf32, #tpu.memory_space<hbm>> -> memref<500000x64xf32, #tpu.memory_space<hbm>>
      tpu.wait_indirect_dma semaphore(%arg12 : memref<!tpu.dma_semaphore, #tpu.memory_space<semaphore_mem>>) src(%dma_wait3A_506 : memref<500000x64xf32, #tpu.memory_space<hbm>>) dst(%dma_wait3A_502 : memref<128x64xf32, #tpu.memory_space<vmem>>)
      %dma_wait3A_507 = arith.constant 384 : i32
      %dma_wait3A_508 = arith.constant 0 : i32
      %dma_wait3A_509 = tpu.memref_slice %arg11[%dma_wait3A_507, %dma_wait3A_508] : memref<512x64xf32, #tpu.memory_space<vmem>> -> memref<128x64xf32, #tpu.memory_space<vmem>>
      %dma_wait3A_510 = tpu.memref_slice %arg7[%mul3A_479] : memref<6912xi32, #tpu.memory_space<vmem>> -> memref<128xi32, #tpu.memory_space<vmem>>
      %dma_wait3A_511 = arith.constant 0 : i32
      %dma_wait3A_512 = arith.constant 0 : i32
      %dma_wait3A_513 = tpu.memref_slice %arg3[%dma_wait3A_511, %dma_wait3A_512] : memref<500000x64xf32, #tpu.memory_space<hbm>> -> memref<500000x64xf32, #tpu.memory_space<hbm>>
      tpu.wait_indirect_dma semaphore(%arg12 : memref<!tpu.dma_semaphore, #tpu.memory_space<semaphore_mem>>) src(%dma_wait3A_513 : memref<500000x64xf32, #tpu.memory_space<hbm>>) dst(%dma_wait3A_509 : memref<128x64xf32, #tpu.memory_space<vmem>>)
      %mul3A_514 = arith.constant 4 : i32
      %mul3A_515 = arith.muli %while3A_434, %mul3A_514 : i32
      %add3A_516 = arith.constant 0 : i32
      %add3A_517 = arith.addi %mul3A_515, %add3A_516 : i32
      %mul3A_518 = arith.constant 128 : i32
      %mul3A_519 = arith.muli %add3A_517, %mul3A_518 : i32
      %dma_start3A_520 = arith.constant 0 : i32
      %dma_start3A_521 = arith.constant 0 : i32
      %dma_start3A_522 = tpu.memref_slice %arg11[%dma_start3A_520, %dma_start3A_521] : memref<512x64xf32, #tpu.memory_space<vmem>> -> memref<128x64xf32, #tpu.memory_space<vmem>>
      %dma_start3A_523 = tpu.memref_slice %arg8[%mul3A_519] : memref<6912xi32, #tpu.memory_space<vmem>> -> memref<128xi32, #tpu.memory_space<vmem>>
      %dma_start3A_524 = arith.constant 0 : i32
      %dma_start3A_525 = arith.constant 0 : i32
      %dma_start3A_526 = tpu.memref_slice %arg5[%dma_start3A_524, %dma_start3A_525] : memref<204800x64xf32, #tpu.memory_space<hbm>> -> memref<204800x64xf32, #tpu.memory_space<hbm>>
      tpu.enqueue_indirect_dma source(%dma_start3A_522 : memref<128x64xf32, #tpu.memory_space<vmem>>) target(%dma_start3A_526 : memref<204800x64xf32, #tpu.memory_space<hbm>>) offsets(%dma_start3A_523 : memref<128xi32, #tpu.memory_space<vmem>>) semaphore(%arg13 : memref<!tpu.dma_semaphore, #tpu.memory_space<semaphore_mem>>)
      %mul3A_527 = arith.constant 4 : i32
      %mul3A_528 = arith.muli %while3A_434, %mul3A_527 : i32
      %add3A_529 = arith.constant 1 : i32
      %add3A_530 = arith.addi %mul3A_528, %add3A_529 : i32
      %mul3A_531 = arith.constant 128 : i32
      %mul3A_532 = arith.muli %add3A_530, %mul3A_531 : i32
      %dma_start3A_533 = arith.constant 128 : i32
      %dma_start3A_534 = arith.constant 0 : i32
      %dma_start3A_535 = tpu.memref_slice %arg11[%dma_start3A_533, %dma_start3A_534] : memref<512x64xf32, #tpu.memory_space<vmem>> -> memref<128x64xf32, #tpu.memory_space<vmem>>
      %dma_start3A_536 = tpu.memref_slice %arg8[%mul3A_532] : memref<6912xi32, #tpu.memory_space<vmem>> -> memref<128xi32, #tpu.memory_space<vmem>>
      %dma_start3A_537 = arith.constant 0 : i32
      %dma_start3A_538 = arith.constant 0 : i32
      %dma_start3A_539 = tpu.memref_slice %arg5[%dma_start3A_537, %dma_start3A_538] : memref<204800x64xf32, #tpu.memory_space<hbm>> -> memref<204800x64xf32, #tpu.memory_space<hbm>>
      tpu.enqueue_indirect_dma source(%dma_start3A_535 : memref<128x64xf32, #tpu.memory_space<vmem>>) target(%dma_start3A_539 : memref<204800x64xf32, #tpu.memory_space<hbm>>) offsets(%dma_start3A_536 : memref<128xi32, #tpu.memory_space<vmem>>) semaphore(%arg13 : memref<!tpu.dma_semaphore, #tpu.memory_space<semaphore_mem>>)
      %mul3A_540 = arith.constant 4 : i32
      %mul3A_541 = arith.muli %while3A_434, %mul3A_540 : i32
      %add3A_542 = arith.constant 2 : i32
      %add3A_543 = arith.addi %mul3A_541, %add3A_542 : i32
      %mul3A_544 = arith.constant 128 : i32
      %mul3A_545 = arith.muli %add3A_543, %mul3A_544 : i32
      %dma_start3A_546 = arith.constant 256 : i32
      %dma_start3A_547 = arith.constant 0 : i32
      %dma_start3A_548 = tpu.memref_slice %arg11[%dma_start3A_546, %dma_start3A_547] : memref<512x64xf32, #tpu.memory_space<vmem>> -> memref<128x64xf32, #tpu.memory_space<vmem>>
      %dma_start3A_549 = tpu.memref_slice %arg8[%mul3A_545] : memref<6912xi32, #tpu.memory_space<vmem>> -> memref<128xi32, #tpu.memory_space<vmem>>
      %dma_start3A_550 = arith.constant 0 : i32
      %dma_start3A_551 = arith.constant 0 : i32
      %dma_start3A_552 = tpu.memref_slice %arg5[%dma_start3A_550, %dma_start3A_551] : memref<204800x64xf32, #tpu.memory_space<hbm>> -> memref<204800x64xf32, #tpu.memory_space<hbm>>
      tpu.enqueue_indirect_dma source(%dma_start3A_548 : memref<128x64xf32, #tpu.memory_space<vmem>>) target(%dma_start3A_552 : memref<204800x64xf32, #tpu.memory_space<hbm>>) offsets(%dma_start3A_549 : memref<128xi32, #tpu.memory_space<vmem>>) semaphore(%arg13 : memref<!tpu.dma_semaphore, #tpu.memory_space<semaphore_mem>>)
      %mul3A_553 = arith.constant 4 : i32
      %mul3A_554 = arith.muli %while3A_434, %mul3A_553 : i32
      %add3A_555 = arith.constant 3 : i32
      %add3A_556 = arith.addi %mul3A_554, %add3A_555 : i32
      %mul3A_557 = arith.constant 128 : i32
      %mul3A_558 = arith.muli %add3A_556, %mul3A_557 : i32
      %dma_start3A_559 = arith.constant 384 : i32
      %dma_start3A_560 = arith.constant 0 : i32
      %dma_start3A_561 = tpu.memref_slice %arg11[%dma_start3A_559, %dma_start3A_560] : memref<512x64xf32, #tpu.memory_space<vmem>> -> memref<128x64xf32, #tpu.memory_space<vmem>>
      %dma_start3A_562 = tpu.memref_slice %arg8[%mul3A_558] : memref<6912xi32, #tpu.memory_space<vmem>> -> memref<128xi32, #tpu.memory_space<vmem>>
      %dma_start3A_563 = arith.constant 0 : i32
      %dma_start3A_564 = arith.constant 0 : i32
      %dma_start3A_565 = tpu.memref_slice %arg5[%dma_start3A_563, %dma_start3A_564] : memref<204800x64xf32, #tpu.memory_space<hbm>> -> memref<204800x64xf32, #tpu.memory_space<hbm>>
      tpu.enqueue_indirect_dma source(%dma_start3A_561 : memref<128x64xf32, #tpu.memory_space<vmem>>) target(%dma_start3A_565 : memref<204800x64xf32, #tpu.memory_space<hbm>>) offsets(%dma_start3A_562 : memref<128xi32, #tpu.memory_space<vmem>>) semaphore(%arg13 : memref<!tpu.dma_semaphore, #tpu.memory_space<semaphore_mem>>)
      %dma_wait3A_566 = arith.constant 0 : i32
      %dma_wait3A_567 = arith.constant 0 : i32
      %dma_wait3A_568 = tpu.memref_slice %arg11[%dma_wait3A_566, %dma_wait3A_567] : memref<512x64xf32, #tpu.memory_space<vmem>> -> memref<128x64xf32, #tpu.memory_space<vmem>>
      %dma_wait3A_569 = tpu.memref_slice %arg8[%mul3A_519] : memref<6912xi32, #tpu.memory_space<vmem>> -> memref<128xi32, #tpu.memory_space<vmem>>
      %dma_wait3A_570 = arith.constant 0 : i32
      %dma_wait3A_571 = arith.constant 0 : i32
      %dma_wait3A_572 = tpu.memref_slice %arg5[%dma_wait3A_570, %dma_wait3A_571] : memref<204800x64xf32, #tpu.memory_space<hbm>> -> memref<204800x64xf32, #tpu.memory_space<hbm>>
      tpu.wait_indirect_dma semaphore(%arg13 : memref<!tpu.dma_semaphore, #tpu.memory_space<semaphore_mem>>) src(%dma_wait3A_568 : memref<128x64xf32, #tpu.memory_space<vmem>>) dst(%dma_wait3A_572 : memref<204800x64xf32, #tpu.memory_space<hbm>>)
      %dma_wait3A_573 = arith.constant 128 : i32
      %dma_wait3A_574 = arith.constant 0 : i32
      %dma_wait3A_575 = tpu.memref_slice %arg11[%dma_wait3A_573, %dma_wait3A_574] : memref<512x64xf32, #tpu.memory_space<vmem>> -> memref<128x64xf32, #tpu.memory_space<vmem>>
      %dma_wait3A_576 = tpu.memref_slice %arg8[%mul3A_532] : memref<6912xi32, #tpu.memory_space<vmem>> -> memref<128xi32, #tpu.memory_space<vmem>>
      %dma_wait3A_577 = arith.constant 0 : i32
      %dma_wait3A_578 = arith.constant 0 : i32
      %dma_wait3A_579 = tpu.memref_slice %arg5[%dma_wait3A_577, %dma_wait3A_578] : memref<204800x64xf32, #tpu.memory_space<hbm>> -> memref<204800x64xf32, #tpu.memory_space<hbm>>
      tpu.wait_indirect_dma semaphore(%arg13 : memref<!tpu.dma_semaphore, #tpu.memory_space<semaphore_mem>>) src(%dma_wait3A_575 : memref<128x64xf32, #tpu.memory_space<vmem>>) dst(%dma_wait3A_579 : memref<204800x64xf32, #tpu.memory_space<hbm>>)
      %dma_wait3A_580 = arith.constant 256 : i32
      %dma_wait3A_581 = arith.constant 0 : i32
      %dma_wait3A_582 = tpu.memref_slice %arg11[%dma_wait3A_580, %dma_wait3A_581] : memref<512x64xf32, #tpu.memory_space<vmem>> -> memref<128x64xf32, #tpu.memory_space<vmem>>
      %dma_wait3A_583 = tpu.memref_slice %arg8[%mul3A_545] : memref<6912xi32, #tpu.memory_space<vmem>> -> memref<128xi32, #tpu.memory_space<vmem>>
      %dma_wait3A_584 = arith.constant 0 : i32
      %dma_wait3A_585 = arith.constant 0 : i32
      %dma_wait3A_586 = tpu.memref_slice %arg5[%dma_wait3A_584, %dma_wait3A_585] : memref<204800x64xf32, #tpu.memory_space<hbm>> -> memref<204800x64xf32, #tpu.memory_space<hbm>>
      tpu.wait_indirect_dma semaphore(%arg13 : memref<!tpu.dma_semaphore, #tpu.memory_space<semaphore_mem>>) src(%dma_wait3A_582 : memref<128x64xf32, #tpu.memory_space<vmem>>) dst(%dma_wait3A_586 : memref<204800x64xf32, #tpu.memory_space<hbm>>)
      %dma_wait3A_587 = arith.constant 384 : i32
      %dma_wait3A_588 = arith.constant 0 : i32
      %dma_wait3A_589 = tpu.memref_slice %arg11[%dma_wait3A_587, %dma_wait3A_588] : memref<512x64xf32, #tpu.memory_space<vmem>> -> memref<128x64xf32, #tpu.memory_space<vmem>>
      %dma_wait3A_590 = tpu.memref_slice %arg8[%mul3A_558] : memref<6912xi32, #tpu.memory_space<vmem>> -> memref<128xi32, #tpu.memory_space<vmem>>
      %dma_wait3A_591 = arith.constant 0 : i32
      %dma_wait3A_592 = arith.constant 0 : i32
      %dma_wait3A_593 = tpu.memref_slice %arg5[%dma_wait3A_591, %dma_wait3A_592] : memref<204800x64xf32, #tpu.memory_space<hbm>> -> memref<204800x64xf32, #tpu.memory_space<hbm>>
      tpu.wait_indirect_dma semaphore(%arg13 : memref<!tpu.dma_semaphore, #tpu.memory_space<semaphore_mem>>) src(%dma_wait3A_589 : memref<128x64xf32, #tpu.memory_space<vmem>>) dst(%dma_wait3A_593 : memref<204800x64xf32, #tpu.memory_space<hbm>>)
      %while3A_594 = arith.constant 0 : i32
      scf.yield %while3A_594 : i32
    }
    %slice3A_218 = vector.extract_strided_slice %scan3A_7#1 {offsets = [0], sizes = [1], strides = [1]} : vector<16xi32> to vector<1xi32>
    %squeeze3A_219 = vector.extract %slice3A_218[0] : i32 from vector<1xi32>
    %gather3A_220 = tpu.vector_load_idx %arg9[%broadcast_in_dim3A_3] : memref<6912xi32, #tpu.memory_space<vmem>>[vector<16xi32>], vector<16xi32>,
    %gather3A_221 = tpu.vector_load_idx %arg10[%broadcast_in_dim3A_3] : memref<6912xi32, #tpu.memory_space<vmem>>[vector<16xi32>], vector<16xi32>,
    %add3A_222 = arith.constant 511 : i32
    %add3A_223 = arith.addi %squeeze3A_219, %add3A_222 : i32
    %shift_right_arithmetic3A_224 = arith.constant 9 : i32
    %shift_right_arithmetic3A_225 = arith.shrsi %add3A_223, %shift_right_arithmetic3A_224 : i32
    %shift_left3A_226 = arith.constant 9 : i32
    %shift_left3A_227 = arith.shli %shift_right_arithmetic3A_225, %shift_left3A_226 : i32
    %add3A_228 = arith.constant 0 : i32
    %add3A_229 = arith.addi %squeeze3A_219, %add3A_228 : i32
    %add3A_230 = vector.broadcast %add3A_229 : i32 to vector<16xi32>
    %add3A_231 = arith.addi %add3A_230, %iota3A : vector<16xi32>
    %lt3A_232 = vector.broadcast %shift_left3A_227 : i32 to vector<16xi32>
    %lt3A_233 = arith.cmpi slt, %add3A_231, %lt3A_232 : vector<16xi32>
    tpu.vector_store_idx %arg9[%add3A_231], %gather3A_220 masked %lt3A_233 : memref<6912xi32, #tpu.memory_space<vmem>>[vector<16xi32>], vector<16xi32>, vector<16xi1>
    tpu.vector_store_idx %arg10[%add3A_231], %gather3A_221 masked %lt3A_233 : memref<6912xi32, #tpu.memory_space<vmem>>[vector<16xi32>], vector<16xi32>, vector<16xi1>
    %add3A_234 = arith.constant 16 : i32
    %add3A_235 = arith.addi %squeeze3A_219, %add3A_234 : i32
    %add3A_236 = vector.broadcast %add3A_235 : i32 to vector<16xi32>
    %add3A_237 = arith.addi %add3A_236, %iota3A : vector<16xi32>
    %lt3A_238 = vector.broadcast %shift_left3A_227 : i32 to vector<16xi32>
    %lt3A_239 = arith.cmpi slt, %add3A_237, %lt3A_238 : vector<16xi32>
    tpu.vector_store_idx %arg9[%add3A_237], %gather3A_220 masked %lt3A_239 : memref<6912xi32, #tpu.memory_space<vmem>>[vector<16xi32>], vector<16xi32>, vector<16xi1>
    tpu.vector_store_idx %arg10[%add3A_237], %gather3A_221 masked %lt3A_239 : memref<6912xi32, #tpu.memory_space<vmem>>[vector<16xi32>], vector<16xi32>, vector<16xi1>
    %add3A_240 = arith.constant 32 : i32
    %add3A_241 = arith.addi %squeeze3A_219, %add3A_240 : i32
    %add3A_242 = vector.broadcast %add3A_241 : i32 to vector<16xi32>
    %add3A_243 = arith.addi %add3A_242, %iota3A : vector<16xi32>
    %lt3A_244 = vector.broadcast %shift_left3A_227 : i32 to vector<16xi32>
    %lt3A_245 = arith.cmpi slt, %add3A_243, %lt3A_244 : vector<16xi32>
    tpu.vector_store_idx %arg9[%add3A_243], %gather3A_220 masked %lt3A_245 : memref<6912xi32, #tpu.memory_space<vmem>>[vector<16xi32>], vector<16xi32>, vector<16xi1>
    tpu.vector_store_idx %arg10[%add3A_243], %gather3A_221 masked %lt3A_245 : memref<6912xi32, #tpu.memory_space<vmem>>[vector<16xi32>], vector<16xi32>, vector<16xi1>
    %add3A_246 = arith.constant 48 : i32
    %add3A_247 = arith.addi %squeeze3A_219, %add3A_246 : i32
    %add3A_248 = vector.broadcast %add3A_247 : i32 to vector<16xi32>
    %add3A_249 = arith.addi %add3A_248, %iota3A : vector<16xi32>
    %lt3A_250 = vector.broadcast %shift_left3A_227 : i32 to vector<16xi32>
    %lt3A_251 = arith.cmpi slt, %add3A_249, %lt3A_250 : vector<16xi32>
    tpu.vector_store_idx %arg9[%add3A_249], %gather3A_220 masked %lt3A_251 : memref<6912xi32, #tpu.memory_space<vmem>>[vector<16xi32>], vector<16xi32>, vector<16xi1>
    tpu.vector_store_idx %arg10[%add3A_249], %gather3A_221 masked %lt3A_251 : memref<6912xi32, #tpu.memory_space<vmem>>[vector<16xi32>], vector<16xi32>, vector<16xi1>
    %add3A_252 = arith.constant 64 : i32
    %add3A_253 = arith.addi %squeeze3A_219, %add3A_252 : i32
    %add3A_254 = vector.broadcast %add3A_253 : i32 to vector<16xi32>
    %add3A_255 = arith.addi %add3A_254, %iota3A : vector<16xi32>
    %lt3A_256 = vector.broadcast %shift_left3A_227 : i32 to vector<16xi32>
    %lt3A_257 = arith.cmpi slt, %add3A_255, %lt3A_256 : vector<16xi32>
    tpu.vector_store_idx %arg9[%add3A_255], %gather3A_220 masked %lt3A_257 : memref<6912xi32, #tpu.memory_space<vmem>>[vector<16xi32>], vector<16xi32>, vector<16xi1>
    tpu.vector_store_idx %arg10[%add3A_255], %gather3A_221 masked %lt3A_257 : memref<6912xi32, #tpu.memory_space<vmem>>[vector<16xi32>], vector<16xi32>, vector<16xi1>
    %add3A_258 = arith.constant 80 : i32
    %add3A_259 = arith.addi %squeeze3A_219, %add3A_258 : i32
    %add3A_260 = vector.broadcast %add3A_259 : i32 to vector<16xi32>
    %add3A_261 = arith.addi %add3A_260, %iota3A : vector<16xi32>
    %lt3A_262 = vector.broadcast %shift_left3A_227 : i32 to vector<16xi32>
    %lt3A_263 = arith.cmpi slt, %add3A_261, %lt3A_262 : vector<16xi32>
    tpu.vector_store_idx %arg9[%add3A_261], %gather3A_220 masked %lt3A_263 : memref<6912xi32, #tpu.memory_space<vmem>>[vector<16xi32>], vector<16xi32>, vector<16xi1>
    tpu.vector_store_idx %arg10[%add3A_261], %gather3A_221 masked %lt3A_263 : memref<6912xi32, #tpu.memory_space<vmem>>[vector<16xi32>], vector<16xi32>, vector<16xi1>
    %add3A_264 = arith.constant 96 : i32
    %add3A_265 = arith.addi %squeeze3A_219, %add3A_264 : i32
    %add3A_266 = vector.broadcast %add3A_265 : i32 to vector<16xi32>
    %add3A_267 = arith.addi %add3A_266, %iota3A : vector<16xi32>
    %lt3A_268 = vector.broadcast %shift_left3A_227 : i32 to vector<16xi32>
    %lt3A_269 = arith.cmpi slt, %add3A_267, %lt3A_268 : vector<16xi32>
    tpu.vector_store_idx %arg9[%add3A_267], %gather3A_220 masked %lt3A_269 : memref<6912xi32, #tpu.memory_space<vmem>>[vector<16xi32>], vector<16xi32>, vector<16xi1>
    tpu.vector_store_idx %arg10[%add3A_267], %gather3A_221 masked %lt3A_269 : memref<6912xi32, #tpu.memory_space<vmem>>[vector<16xi32>], vector<16xi32>, vector<16xi1>
    %add3A_270 = arith.constant 112 : i32
    %add3A_271 = arith.addi %squeeze3A_219, %add3A_270 : i32
    %add3A_272 = vector.broadcast %add3A_271 : i32 to vector<16xi32>
    %add3A_273 = arith.addi %add3A_272, %iota3A : vector<16xi32>
    %lt3A_274 = vector.broadcast %shift_left3A_227 : i32 to vector<16xi32>
    %lt3A_275 = arith.cmpi slt, %add3A_273, %lt3A_274 : vector<16xi32>
    tpu.vector_store_idx %arg9[%add3A_273], %gather3A_220 masked %lt3A_275 : memref<6912xi32, #tpu.memory_space<vmem>>[vector<16xi32>], vector<16xi32>, vector<16xi1>
    tpu.vector_store_idx %arg10[%add3A_273], %gather3A_221 masked %lt3A_275 : memref<6912xi32, #tpu.memory_space<vmem>>[vector<16xi32>], vector<16xi32>, vector<16xi1>
    %add3A_276 = arith.constant 128 : i32
    %add3A_277 = arith.addi %squeeze3A_219, %add3A_276 : i32
    %add3A_278 = vector.broadcast %add3A_277 : i32 to vector<16xi32>
    %add3A_279 = arith.addi %add3A_278, %iota3A : vector<16xi32>
    %lt3A_280 = vector.broadcast %shift_left3A_227 : i32 to vector<16xi32>
    %lt3A_281 = arith.cmpi slt, %add3A_279, %lt3A_280 : vector<16xi32>
    tpu.vector_store_idx %arg9[%add3A_279], %gather3A_220 masked %lt3A_281 : memref<6912xi32, #tpu.memory_space<vmem>>[vector<16xi32>], vector<16xi32>, vector<16xi1>
    tpu.vector_store_idx %arg10[%add3A_279], %gather3A_221 masked %lt3A_281 : memref<6912xi32, #tpu.memory_space<vmem>>[vector<16xi32>], vector<16xi32>, vector<16xi1>
    %add3A_282 = arith.constant 144 : i32
    %add3A_283 = arith.addi %squeeze3A_219, %add3A_282 : i32
    %add3A_284 = vector.broadcast %add3A_283 : i32 to vector<16xi32>
    %add3A_285 = arith.addi %add3A_284, %iota3A : vector<16xi32>
    %lt3A_286 = vector.broadcast %shift_left3A_227 : i32 to vector<16xi32>
    %lt3A_287 = arith.cmpi slt, %add3A_285, %lt3A_286 : vector<16xi32>
    tpu.vector_store_idx %arg9[%add3A_285], %gather3A_220 masked %lt3A_287 : memref<6912xi32, #tpu.memory_space<vmem>>[vector<16xi32>], vector<16xi32>, vector<16xi1>
    tpu.vector_store_idx %arg10[%add3A_285], %gather3A_221 masked %lt3A_287 : memref<6912xi32, #tpu.memory_space<vmem>>[vector<16xi32>], vector<16xi32>, vector<16xi1>
    %add3A_288 = arith.constant 160 : i32
    %add3A_289 = arith.addi %squeeze3A_219, %add3A_288 : i32
    %add3A_290 = vector.broadcast %add3A_289 : i32 to vector<16xi32>
    %add3A_291 = arith.addi %add3A_290, %iota3A : vector<16xi32>
    %lt3A_292 = vector.broadcast %shift_left3A_227 : i32 to vector<16xi32>
    %lt3A_293 = arith.cmpi slt, %add3A_291, %lt3A_292 : vector<16xi32>
    tpu.vector_store_idx %arg9[%add3A_291], %gather3A_220 masked %lt3A_293 : memref<6912xi32, #tpu.memory_space<vmem>>[vector<16xi32>], vector<16xi32>, vector<16xi1>
    tpu.vector_store_idx %arg10[%add3A_291], %gather3A_221 masked %lt3A_293 : memref<6912xi32, #tpu.memory_space<vmem>>[vector<16xi32>], vector<16xi32>, vector<16xi1>
    %add3A_294 = arith.constant 176 : i32
    %add3A_295 = arith.addi %squeeze3A_219, %add3A_294 : i32
    %add3A_296 = vector.broadcast %add3A_295 : i32 to vector<16xi32>
    %add3A_297 = arith.addi %add3A_296, %iota3A : vector<16xi32>
    %lt3A_298 = vector.broadcast %shift_left3A_227 : i32 to vector<16xi32>
    %lt3A_299 = arith.cmpi slt, %add3A_297, %lt3A_298 : vector<16xi32>
    tpu.vector_store_idx %arg9[%add3A_297], %gather3A_220 masked %lt3A_299 : memref<6912xi32, #tpu.memory_space<vmem>>[vector<16xi32>], vector<16xi32>, vector<16xi1>
    tpu.vector_store_idx %arg10[%add3A_297], %gather3A_221 masked %lt3A_299 : memref<6912xi32, #tpu.memory_space<vmem>>[vector<16xi32>], vector<16xi32>, vector<16xi1>
    %add3A_300 = arith.constant 192 : i32
    %add3A_301 = arith.addi %squeeze3A_219, %add3A_300 : i32
    %add3A_302 = vector.broadcast %add3A_301 : i32 to vector<16xi32>
    %add3A_303 = arith.addi %add3A_302, %iota3A : vector<16xi32>
    %lt3A_304 = vector.broadcast %shift_left3A_227 : i32 to vector<16xi32>
    %lt3A_305 = arith.cmpi slt, %add3A_303, %lt3A_304 : vector<16xi32>
    tpu.vector_store_idx %arg9[%add3A_303], %gather3A_220 masked %lt3A_305 : memref<6912xi32, #tpu.memory_space<vmem>>[vector<16xi32>], vector<16xi32>, vector<16xi1>
    tpu.vector_store_idx %arg10[%add3A_303], %gather3A_221 masked %lt3A_305 : memref<6912xi32, #tpu.memory_space<vmem>>[vector<16xi32>], vector<16xi32>, vector<16xi1>
    %add3A_306 = arith.constant 208 : i32
    %add3A_307 = arith.addi %squeeze3A_219, %add3A_306 : i32
    %add3A_308 = vector.broadcast %add3A_307 : i32 to vector<16xi32>
    %add3A_309 = arith.addi %add3A_308, %iota3A : vector<16xi32>
    %lt3A_310 = vector.broadcast %shift_left3A_227 : i32 to vector<16xi32>
    %lt3A_311 = arith.cmpi slt, %add3A_309, %lt3A_310 : vector<16xi32>
    tpu.vector_store_idx %arg9[%add3A_309], %gather3A_220 masked %lt3A_311 : memref<6912xi32, #tpu.memory_space<vmem>>[vector<16xi32>], vector<16xi32>, vector<16xi1>
    tpu.vector_store_idx %arg10[%add3A_309], %gather3A_221 masked %lt3A_311 : memref<6912xi32, #tpu.memory_space<vmem>>[vector<16xi32>], vector<16xi32>, vector<16xi1>
    %add3A_312 = arith.constant 224 : i32
    %add3A_313 = arith.addi %squeeze3A_219, %add3A_312 : i32
    %add3A_314 = vector.broadcast %add3A_313 : i32 to vector<16xi32>
    %add3A_315 = arith.addi %add3A_314, %iota3A : vector<16xi32>
    %lt3A_316 = vector.broadcast %shift_left3A_227 : i32 to vector<16xi32>
    %lt3A_317 = arith.cmpi slt, %add3A_315, %lt3A_316 : vector<16xi32>
    tpu.vector_store_idx %arg9[%add3A_315], %gather3A_220 masked %lt3A_317 : memref<6912xi32, #tpu.memory_space<vmem>>[vector<16xi32>], vector<16xi32>, vector<16xi1>
    tpu.vector_store_idx %arg10[%add3A_315], %gather3A_221 masked %lt3A_317 : memref<6912xi32, #tpu.memory_space<vmem>>[vector<16xi32>], vector<16xi32>, vector<16xi1>
    %add3A_318 = arith.constant 240 : i32
    %add3A_319 = arith.addi %squeeze3A_219, %add3A_318 : i32
    %add3A_320 = vector.broadcast %add3A_319 : i32 to vector<16xi32>
    %add3A_321 = arith.addi %add3A_320, %iota3A : vector<16xi32>
    %lt3A_322 = vector.broadcast %shift_left3A_227 : i32 to vector<16xi32>
    %lt3A_323 = arith.cmpi slt, %add3A_321, %lt3A_322 : vector<16xi32>
    tpu.vector_store_idx %arg9[%add3A_321], %gather3A_220 masked %lt3A_323 : memref<6912xi32, #tpu.memory_space<vmem>>[vector<16xi32>], vector<16xi32>, vector<16xi1>
    tpu.vector_store_idx %arg10[%add3A_321], %gather3A_221 masked %lt3A_323 : memref<6912xi32, #tpu.memory_space<vmem>>[vector<16xi32>], vector<16xi32>, vector<16xi1>
    %add3A_324 = arith.constant 256 : i32
    %add3A_325 = arith.addi %squeeze3A_219, %add3A_324 : i32
    %add3A_326 = vector.broadcast %add3A_325 : i32 to vector<16xi32>
    %add3A_327 = arith.addi %add3A_326, %iota3A : vector<16xi32>
    %lt3A_328 = vector.broadcast %shift_left3A_227 : i32 to vector<16xi32>
    %lt3A_329 = arith.cmpi slt, %add3A_327, %lt3A_328 : vector<16xi32>
    tpu.vector_store_idx %arg9[%add3A_327], %gather3A_220 masked %lt3A_329 : memref<6912xi32, #tpu.memory_space<vmem>>[vector<16xi32>], vector<16xi32>, vector<16xi1>
    tpu.vector_store_idx %arg10[%add3A_327], %gather3A_221 masked %lt3A_329 : memref<6912xi32, #tpu.memory_space<vmem>>[vector<16xi32>], vector<16xi32>, vector<16xi1>
    %add3A_330 = arith.constant 272 : i32
    %add3A_331 = arith.addi %squeeze3A_219, %add3A_330 : i32
    %add3A_332 = vector.broadcast %add3A_331 : i32 to vector<16xi32>
    %add3A_333 = arith.addi %add3A_332, %iota3A : vector<16xi32>
    %lt3A_334 = vector.broadcast %shift_left3A_227 : i32 to vector<16xi32>
    %lt3A_335 = arith.cmpi slt, %add3A_333, %lt3A_334 : vector<16xi32>
    tpu.vector_store_idx %arg9[%add3A_333], %gather3A_220 masked %lt3A_335 : memref<6912xi32, #tpu.memory_space<vmem>>[vector<16xi32>], vector<16xi32>, vector<16xi1>
    tpu.vector_store_idx %arg10[%add3A_333], %gather3A_221 masked %lt3A_335 : memref<6912xi32, #tpu.memory_space<vmem>>[vector<16xi32>], vector<16xi32>, vector<16xi1>
    %add3A_336 = arith.constant 288 : i32
    %add3A_337 = arith.addi %squeeze3A_219, %add3A_336 : i32
    %add3A_338 = vector.broadcast %add3A_337 : i32 to vector<16xi32>
    %add3A_339 = arith.addi %add3A_338, %iota3A : vector<16xi32>
    %lt3A_340 = vector.broadcast %shift_left3A_227 : i32 to vector<16xi32>
    %lt3A_341 = arith.cmpi slt, %add3A_339, %lt3A_340 : vector<16xi32>
    tpu.vector_store_idx %arg9[%add3A_339], %gather3A_220 masked %lt3A_341 : memref<6912xi32, #tpu.memory_space<vmem>>[vector<16xi32>], vector<16xi32>, vector<16xi1>
    tpu.vector_store_idx %arg10[%add3A_339], %gather3A_221 masked %lt3A_341 : memref<6912xi32, #tpu.memory_space<vmem>>[vector<16xi32>], vector<16xi32>, vector<16xi1>
    %add3A_342 = arith.constant 304 : i32
    %add3A_343 = arith.addi %squeeze3A_219, %add3A_342 : i32
    %add3A_344 = vector.broadcast %add3A_343 : i32 to vector<16xi32>
    %add3A_345 = arith.addi %add3A_344, %iota3A : vector<16xi32>
    %lt3A_346 = vector.broadcast %shift_left3A_227 : i32 to vector<16xi32>
    %lt3A_347 = arith.cmpi slt, %add3A_345, %lt3A_346 : vector<16xi32>
    tpu.vector_store_idx %arg9[%add3A_345], %gather3A_220 masked %lt3A_347 : memref<6912xi32, #tpu.memory_space<vmem>>[vector<16xi32>], vector<16xi32>, vector<16xi1>
    tpu.vector_store_idx %arg10[%add3A_345], %gather3A_221 masked %lt3A_347 : memref<6912xi32, #tpu.memory_space<vmem>>[vector<16xi32>], vector<16xi32>, vector<16xi1>
    %add3A_348 = arith.constant 320 : i32
    %add3A_349 = arith.addi %squeeze3A_219, %add3A_348 : i32
    %add3A_350 = vector.broadcast %add3A_349 : i32 to vector<16xi32>
    %add3A_351 = arith.addi %add3A_350, %iota3A : vector<16xi32>
    %lt3A_352 = vector.broadcast %shift_left3A_227 : i32 to vector<16xi32>
    %lt3A_353 = arith.cmpi slt, %add3A_351, %lt3A_352 : vector<16xi32>
    tpu.vector_store_idx %arg9[%add3A_351], %gather3A_220 masked %lt3A_353 : memref<6912xi32, #tpu.memory_space<vmem>>[vector<16xi32>], vector<16xi32>, vector<16xi1>
    tpu.vector_store_idx %arg10[%add3A_351], %gather3A_221 masked %lt3A_353 : memref<6912xi32, #tpu.memory_space<vmem>>[vector<16xi32>], vector<16xi32>, vector<16xi1>
    %add3A_354 = arith.constant 336 : i32
    %add3A_355 = arith.addi %squeeze3A_219, %add3A_354 : i32
    %add3A_356 = vector.broadcast %add3A_355 : i32 to vector<16xi32>
    %add3A_357 = arith.addi %add3A_356, %iota3A : vector<16xi32>
    %lt3A_358 = vector.broadcast %shift_left3A_227 : i32 to vector<16xi32>
    %lt3A_359 = arith.cmpi slt, %add3A_357, %lt3A_358 : vector<16xi32>
    tpu.vector_store_idx %arg9[%add3A_357], %gather3A_220 masked %lt3A_359 : memref<6912xi32, #tpu.memory_space<vmem>>[vector<16xi32>], vector<16xi32>, vector<16xi1>
    tpu.vector_store_idx %arg10[%add3A_357], %gather3A_221 masked %lt3A_359 : memref<6912xi32, #tpu.memory_space<vmem>>[vector<16xi32>], vector<16xi32>, vector<16xi1>
    %add3A_360 = arith.constant 352 : i32
    %add3A_361 = arith.addi %squeeze3A_219, %add3A_360 : i32
    %add3A_362 = vector.broadcast %add3A_361 : i32 to vector<16xi32>
    %add3A_363 = arith.addi %add3A_362, %iota3A : vector<16xi32>
    %lt3A_364 = vector.broadcast %shift_left3A_227 : i32 to vector<16xi32>
    %lt3A_365 = arith.cmpi slt, %add3A_363, %lt3A_364 : vector<16xi32>
    tpu.vector_store_idx %arg9[%add3A_363], %gather3A_220 masked %lt3A_365 : memref<6912xi32, #tpu.memory_space<vmem>>[vector<16xi32>], vector<16xi32>, vector<16xi1>
    tpu.vector_store_idx %arg10[%add3A_363], %gather3A_221 masked %lt3A_365 : memref<6912xi32, #tpu.memory_space<vmem>>[vector<16xi32>], vector<16xi32>, vector<16xi1>
    %add3A_366 = arith.constant 368 : i32
    %add3A_367 = arith.addi %squeeze3A_219, %add3A_366 : i32
    %add3A_368 = vector.broadcast %add3A_367 : i32 to vector<16xi32>
    %add3A_369 = arith.addi %add3A_368, %iota3A : vector<16xi32>
    %lt3A_370 = vector.broadcast %shift_left3A_227 : i32 to vector<16xi32>
    %lt3A_371 = arith.cmpi slt, %add3A_369, %lt3A_370 : vector<16xi32>
    tpu.vector_store_idx %arg9[%add3A_369], %gather3A_220 masked %lt3A_371 : memref<6912xi32, #tpu.memory_space<vmem>>[vector<16xi32>], vector<16xi32>, vector<16xi1>
    tpu.vector_store_idx %arg10[%add3A_369], %gather3A_221 masked %lt3A_371 : memref<6912xi32, #tpu.memory_space<vmem>>[vector<16xi32>], vector<16xi32>, vector<16xi1>
    %add3A_372 = arith.constant 384 : i32
    %add3A_373 = arith.addi %squeeze3A_219, %add3A_372 : i32
    %add3A_374 = vector.broadcast %add3A_373 : i32 to vector<16xi32>
    %add3A_375 = arith.addi %add3A_374, %iota3A : vector<16xi32>
    %lt3A_376 = vector.broadcast %shift_left3A_227 : i32 to vector<16xi32>
    %lt3A_377 = arith.cmpi slt, %add3A_375, %lt3A_376 : vector<16xi32>
    tpu.vector_store_idx %arg9[%add3A_375], %gather3A_220 masked %lt3A_377 : memref<6912xi32, #tpu.memory_space<vmem>>[vector<16xi32>], vector<16xi32>, vector<16xi1>
    tpu.vector_store_idx %arg10[%add3A_375], %gather3A_221 masked %lt3A_377 : memref<6912xi32, #tpu.memory_space<vmem>>[vector<16xi32>], vector<16xi32>, vector<16xi1>
    %add3A_378 = arith.constant 400 : i32
    %add3A_379 = arith.addi %squeeze3A_219, %add3A_378 : i32
    %add3A_380 = vector.broadcast %add3A_379 : i32 to vector<16xi32>
    %add3A_381 = arith.addi %add3A_380, %iota3A : vector<16xi32>
    %lt3A_382 = vector.broadcast %shift_left3A_227 : i32 to vector<16xi32>
    %lt3A_383 = arith.cmpi slt, %add3A_381, %lt3A_382 : vector<16xi32>
    tpu.vector_store_idx %arg9[%add3A_381], %gather3A_220 masked %lt3A_383 : memref<6912xi32, #tpu.memory_space<vmem>>[vector<16xi32>], vector<16xi32>, vector<16xi1>
    tpu.vector_store_idx %arg10[%add3A_381], %gather3A_221 masked %lt3A_383 : memref<6912xi32, #tpu.memory_space<vmem>>[vector<16xi32>], vector<16xi32>, vector<16xi1>
    %add3A_384 = arith.constant 416 : i32
    %add3A_385 = arith.addi %squeeze3A_219, %add3A_384 : i32
    %add3A_386 = vector.broadcast %add3A_385 : i32 to vector<16xi32>
    %add3A_387 = arith.addi %add3A_386, %iota3A : vector<16xi32>
    %lt3A_388 = vector.broadcast %shift_left3A_227 : i32 to vector<16xi32>
    %lt3A_389 = arith.cmpi slt, %add3A_387, %lt3A_388 : vector<16xi32>
    tpu.vector_store_idx %arg9[%add3A_387], %gather3A_220 masked %lt3A_389 : memref<6912xi32, #tpu.memory_space<vmem>>[vector<16xi32>], vector<16xi32>, vector<16xi1>
    tpu.vector_store_idx %arg10[%add3A_387], %gather3A_221 masked %lt3A_389 : memref<6912xi32, #tpu.memory_space<vmem>>[vector<16xi32>], vector<16xi32>, vector<16xi1>
    %add3A_390 = arith.constant 432 : i32
    %add3A_391 = arith.addi %squeeze3A_219, %add3A_390 : i32
    %add3A_392 = vector.broadcast %add3A_391 : i32 to vector<16xi32>
    %add3A_393 = arith.addi %add3A_392, %iota3A : vector<16xi32>
    %lt3A_394 = vector.broadcast %shift_left3A_227 : i32 to vector<16xi32>
    %lt3A_395 = arith.cmpi slt, %add3A_393, %lt3A_394 : vector<16xi32>
    tpu.vector_store_idx %arg9[%add3A_393], %gather3A_220 masked %lt3A_395 : memref<6912xi32, #tpu.memory_space<vmem>>[vector<16xi32>], vector<16xi32>, vector<16xi1>
    tpu.vector_store_idx %arg10[%add3A_393], %gather3A_221 masked %lt3A_395 : memref<6912xi32, #tpu.memory_space<vmem>>[vector<16xi32>], vector<16xi32>, vector<16xi1>
    %add3A_396 = arith.constant 448 : i32
    %add3A_397 = arith.addi %squeeze3A_219, %add3A_396 : i32
    %add3A_398 = vector.broadcast %add3A_397 : i32 to vector<16xi32>
    %add3A_399 = arith.addi %add3A_398, %iota3A : vector<16xi32>
    %lt3A_400 = vector.broadcast %shift_left3A_227 : i32 to vector<16xi32>
    %lt3A_401 = arith.cmpi slt, %add3A_399, %lt3A_400 : vector<16xi32>
    tpu.vector_store_idx %arg9[%add3A_399], %gather3A_220 masked %lt3A_401 : memref<6912xi32, #tpu.memory_space<vmem>>[vector<16xi32>], vector<16xi32>, vector<16xi1>
    tpu.vector_store_idx %arg10[%add3A_399], %gather3A_221 masked %lt3A_401 : memref<6912xi32, #tpu.memory_space<vmem>>[vector<16xi32>], vector<16xi32>, vector<16xi1>
    %add3A_402 = arith.constant 464 : i32
    %add3A_403 = arith.addi %squeeze3A_219, %add3A_402 : i32
    %add3A_404 = vector.broadcast %add3A_403 : i32 to vector<16xi32>
    %add3A_405 = arith.addi %add3A_404, %iota3A : vector<16xi32>
    %lt3A_406 = vector.broadcast %shift_left3A_227 : i32 to vector<16xi32>
    %lt3A_407 = arith.cmpi slt, %add3A_405, %lt3A_406 : vector<16xi32>
    tpu.vector_store_idx %arg9[%add3A_405], %gather3A_220 masked %lt3A_407 : memref<6912xi32, #tpu.memory_space<vmem>>[vector<16xi32>], vector<16xi32>, vector<16xi1>
    tpu.vector_store_idx %arg10[%add3A_405], %gather3A_221 masked %lt3A_407 : memref<6912xi32, #tpu.memory_space<vmem>>[vector<16xi32>], vector<16xi32>, vector<16xi1>
    %add3A_408 = arith.constant 480 : i32
    %add3A_409 = arith.addi %squeeze3A_219, %add3A_408 : i32
    %add3A_410 = vector.broadcast %add3A_409 : i32 to vector<16xi32>
    %add3A_411 = arith.addi %add3A_410, %iota3A : vector<16xi32>
    %lt3A_412 = vector.broadcast %shift_left3A_227 : i32 to vector<16xi32>
    %lt3A_413 = arith.cmpi slt, %add3A_411, %lt3A_412 : vector<16xi32>
    tpu.vector_store_idx %arg9[%add3A_411], %gather3A_220 masked %lt3A_413 : memref<6912xi32, #tpu.memory_space<vmem>>[vector<16xi32>], vector<16xi32>, vector<16xi1>
    tpu.vector_store_idx %arg10[%add3A_411], %gather3A_221 masked %lt3A_413 : memref<6912xi32, #tpu.memory_space<vmem>>[vector<16xi32>], vector<16xi32>, vector<16xi1>
    %add3A_414 = arith.constant 496 : i32
    %add3A_415 = arith.addi %squeeze3A_219, %add3A_414 : i32
    %add3A_416 = vector.broadcast %add3A_415 : i32 to vector<16xi32>
    %add3A_417 = arith.addi %add3A_416, %iota3A : vector<16xi32>
    %lt3A_418 = vector.broadcast %shift_left3A_227 : i32 to vector<16xi32>
    %lt3A_419 = arith.cmpi slt, %add3A_417, %lt3A_418 : vector<16xi32>
    tpu.vector_store_idx %arg9[%add3A_417], %gather3A_220 masked %lt3A_419 : memref<6912xi32, #tpu.memory_space<vmem>>[vector<16xi32>], vector<16xi32>, vector<16xi1>
    tpu.vector_store_idx %arg10[%add3A_417], %gather3A_221 masked %lt3A_419 : memref<6912xi32, #tpu.memory_space<vmem>>[vector<16xi32>], vector<16xi32>, vector<16xi1>
    %shift_right_arithmetic3A_420 = arith.constant 9 : i32
    %shift_right_arithmetic3A_421 = arith.shrsi %shift_left3A_227, %shift_right_arithmetic3A_420 : i32
    %while3A_422 = arith.constant 0 : i32
    %while3A_423 = arith.constant 0 : i32
    %while3A_424 = arith.subi %shift_right_arithmetic3A_421, %while3A_422 : i32
    %while3A_425 = arith.addi %while3A_422, %while3A_424 : i32
    %while3A_426 = arith.constant 1 : i32
    %while3A_427 = arith.divsi %while3A_424, %while3A_426 : i32
    %while3A_428 = arith.muli %while3A_427, %while3A_426 : i32
    %while3A_429 = arith.addi %while3A_422, %while3A_428 : i32
    %while3A_430 = arith.constant 1 : i32
    %while3A_431 = scf.for %while3A_434 = %while3A_422 to %while3A_429 step %while3A_430 iter_args(%while3A_435 = %while3A_423) -> (i32)  : i32 {
      %mul3A_436 = arith.constant 4 : i32
      %mul3A_437 = arith.muli %while3A_434, %mul3A_436 : i32
      %add3A_438 = arith.constant 0 : i32
      %add3A_439 = arith.addi %mul3A_437, %add3A_438 : i32
      %mul3A_440 = arith.constant 128 : i32
      %mul3A_441 = arith.muli %add3A_439, %mul3A_440 : i32
      %dma_start3A = arith.constant 0 : i32
      %dma_start3A_442 = arith.constant 0 : i32
      %dma_start3A_443 = tpu.memref_slice %arg11[%dma_start3A, %dma_start3A_442] : memref<512x64xf32, #tpu.memory_space<vmem>> -> memref<128x64xf32, #tpu.memory_space<vmem>>
      %dma_start3A_444 = tpu.memref_slice %arg9[%mul3A_441] : memref<6912xi32, #tpu.memory_space<vmem>> -> memref<128xi32, #tpu.memory_space<vmem>>
      %dma_start3A_445 = arith.constant 0 : i32
      %dma_start3A_446 = arith.constant 0 : i32
      %dma_start3A_447 = tpu.memref_slice %arg4[%dma_start3A_445, %dma_start3A_446] : memref<500000x64xf32, #tpu.memory_space<hbm>> -> memref<500000x64xf32, #tpu.memory_space<hbm>>
      tpu.enqueue_indirect_dma source(%dma_start3A_447 : memref<500000x64xf32, #tpu.memory_space<hbm>>) target(%dma_start3A_443 : memref<128x64xf32, #tpu.memory_space<vmem>>) offsets(%dma_start3A_444 : memref<128xi32, #tpu.memory_space<vmem>>) semaphore(%arg12 : memref<!tpu.dma_semaphore, #tpu.memory_space<semaphore_mem>>)
      %mul3A_448 = arith.constant 4 : i32
      %mul3A_449 = arith.muli %while3A_434, %mul3A_448 : i32
      %add3A_450 = arith.constant 1 : i32
      %add3A_451 = arith.addi %mul3A_449, %add3A_450 : i32
      %mul3A_452 = arith.constant 128 : i32
      %mul3A_453 = arith.muli %add3A_451, %mul3A_452 : i32
      %dma_start3A_454 = arith.constant 128 : i32
      %dma_start3A_455 = arith.constant 0 : i32
      %dma_start3A_456 = tpu.memref_slice %arg11[%dma_start3A_454, %dma_start3A_455] : memref<512x64xf32, #tpu.memory_space<vmem>> -> memref<128x64xf32, #tpu.memory_space<vmem>>
      %dma_start3A_457 = tpu.memref_slice %arg9[%mul3A_453] : memref<6912xi32, #tpu.memory_space<vmem>> -> memref<128xi32, #tpu.memory_space<vmem>>
      %dma_start3A_458 = arith.constant 0 : i32
      %dma_start3A_459 = arith.constant 0 : i32
      %dma_start3A_460 = tpu.memref_slice %arg4[%dma_start3A_458, %dma_start3A_459] : memref<500000x64xf32, #tpu.memory_space<hbm>> -> memref<500000x64xf32, #tpu.memory_space<hbm>>
      tpu.enqueue_indirect_dma source(%dma_start3A_460 : memref<500000x64xf32, #tpu.memory_space<hbm>>) target(%dma_start3A_456 : memref<128x64xf32, #tpu.memory_space<vmem>>) offsets(%dma_start3A_457 : memref<128xi32, #tpu.memory_space<vmem>>) semaphore(%arg12 : memref<!tpu.dma_semaphore, #tpu.memory_space<semaphore_mem>>)
      %mul3A_461 = arith.constant 4 : i32
      %mul3A_462 = arith.muli %while3A_434, %mul3A_461 : i32
      %add3A_463 = arith.constant 2 : i32
      %add3A_464 = arith.addi %mul3A_462, %add3A_463 : i32
      %mul3A_465 = arith.constant 128 : i32
      %mul3A_466 = arith.muli %add3A_464, %mul3A_465 : i32
      %dma_start3A_467 = arith.constant 256 : i32
      %dma_start3A_468 = arith.constant 0 : i32
      %dma_start3A_469 = tpu.memref_slice %arg11[%dma_start3A_467, %dma_start3A_468] : memref<512x64xf32, #tpu.memory_space<vmem>> -> memref<128x64xf32, #tpu.memory_space<vmem>>
      %dma_start3A_470 = tpu.memref_slice %arg9[%mul3A_466] : memref<6912xi32, #tpu.memory_space<vmem>> -> memref<128xi32, #tpu.memory_space<vmem>>
      %dma_start3A_471 = arith.constant 0 : i32
      %dma_start3A_472 = arith.constant 0 : i32
      %dma_start3A_473 = tpu.memref_slice %arg4[%dma_start3A_471, %dma_start3A_472] : memref<500000x64xf32, #tpu.memory_space<hbm>> -> memref<500000x64xf32, #tpu.memory_space<hbm>>
      tpu.enqueue_indirect_dma source(%dma_start3A_473 : memref<500000x64xf32, #tpu.memory_space<hbm>>) target(%dma_start3A_469 : memref<128x64xf32, #tpu.memory_space<vmem>>) offsets(%dma_start3A_470 : memref<128xi32, #tpu.memory_space<vmem>>) semaphore(%arg12 : memref<!tpu.dma_semaphore, #tpu.memory_space<semaphore_mem>>)
      %mul3A_474 = arith.constant 4 : i32
      %mul3A_475 = arith.muli %while3A_434, %mul3A_474 : i32
      %add3A_476 = arith.constant 3 : i32
      %add3A_477 = arith.addi %mul3A_475, %add3A_476 : i32
      %mul3A_478 = arith.constant 128 : i32
      %mul3A_479 = arith.muli %add3A_477, %mul3A_478 : i32
      %dma_start3A_480 = arith.constant 384 : i32
      %dma_start3A_481 = arith.constant 0 : i32
      %dma_start3A_482 = tpu.memref_slice %arg11[%dma_start3A_480, %dma_start3A_481] : memref<512x64xf32, #tpu.memory_space<vmem>> -> memref<128x64xf32, #tpu.memory_space<vmem>>
      %dma_start3A_483 = tpu.memref_slice %arg9[%mul3A_479] : memref<6912xi32, #tpu.memory_space<vmem>> -> memref<128xi32, #tpu.memory_space<vmem>>
      %dma_start3A_484 = arith.constant 0 : i32
      %dma_start3A_485 = arith.constant 0 : i32
      %dma_start3A_486 = tpu.memref_slice %arg4[%dma_start3A_484, %dma_start3A_485] : memref<500000x64xf32, #tpu.memory_space<hbm>> -> memref<500000x64xf32, #tpu.memory_space<hbm>>
      tpu.enqueue_indirect_dma source(%dma_start3A_486 : memref<500000x64xf32, #tpu.memory_space<hbm>>) target(%dma_start3A_482 : memref<128x64xf32, #tpu.memory_space<vmem>>) offsets(%dma_start3A_483 : memref<128xi32, #tpu.memory_space<vmem>>) semaphore(%arg12 : memref<!tpu.dma_semaphore, #tpu.memory_space<semaphore_mem>>)
      %dma_wait3A = arith.constant 0 : i32
      %dma_wait3A_487 = arith.constant 0 : i32
      %dma_wait3A_488 = tpu.memref_slice %arg11[%dma_wait3A, %dma_wait3A_487] : memref<512x64xf32, #tpu.memory_space<vmem>> -> memref<128x64xf32, #tpu.memory_space<vmem>>
      %dma_wait3A_489 = tpu.memref_slice %arg9[%mul3A_441] : memref<6912xi32, #tpu.memory_space<vmem>> -> memref<128xi32, #tpu.memory_space<vmem>>
      %dma_wait3A_490 = arith.constant 0 : i32
      %dma_wait3A_491 = arith.constant 0 : i32
      %dma_wait3A_492 = tpu.memref_slice %arg4[%dma_wait3A_490, %dma_wait3A_491] : memref<500000x64xf32, #tpu.memory_space<hbm>> -> memref<500000x64xf32, #tpu.memory_space<hbm>>
      tpu.wait_indirect_dma semaphore(%arg12 : memref<!tpu.dma_semaphore, #tpu.memory_space<semaphore_mem>>) src(%dma_wait3A_492 : memref<500000x64xf32, #tpu.memory_space<hbm>>) dst(%dma_wait3A_488 : memref<128x64xf32, #tpu.memory_space<vmem>>)
      %dma_wait3A_493 = arith.constant 128 : i32
      %dma_wait3A_494 = arith.constant 0 : i32
      %dma_wait3A_495 = tpu.memref_slice %arg11[%dma_wait3A_493, %dma_wait3A_494] : memref<512x64xf32, #tpu.memory_space<vmem>> -> memref<128x64xf32, #tpu.memory_space<vmem>>
      %dma_wait3A_496 = tpu.memref_slice %arg9[%mul3A_453] : memref<6912xi32, #tpu.memory_space<vmem>> -> memref<128xi32, #tpu.memory_space<vmem>>
      %dma_wait3A_497 = arith.constant 0 : i32
      %dma_wait3A_498 = arith.constant 0 : i32
      %dma_wait3A_499 = tpu.memref_slice %arg4[%dma_wait3A_497, %dma_wait3A_498] : memref<500000x64xf32, #tpu.memory_space<hbm>> -> memref<500000x64xf32, #tpu.memory_space<hbm>>
      tpu.wait_indirect_dma semaphore(%arg12 : memref<!tpu.dma_semaphore, #tpu.memory_space<semaphore_mem>>) src(%dma_wait3A_499 : memref<500000x64xf32, #tpu.memory_space<hbm>>) dst(%dma_wait3A_495 : memref<128x64xf32, #tpu.memory_space<vmem>>)
      %dma_wait3A_500 = arith.constant 256 : i32
      %dma_wait3A_501 = arith.constant 0 : i32
      %dma_wait3A_502 = tpu.memref_slice %arg11[%dma_wait3A_500, %dma_wait3A_501] : memref<512x64xf32, #tpu.memory_space<vmem>> -> memref<128x64xf32, #tpu.memory_space<vmem>>
      %dma_wait3A_503 = tpu.memref_slice %arg9[%mul3A_466] : memref<6912xi32, #tpu.memory_space<vmem>> -> memref<128xi32, #tpu.memory_space<vmem>>
      %dma_wait3A_504 = arith.constant 0 : i32
      %dma_wait3A_505 = arith.constant 0 : i32
      %dma_wait3A_506 = tpu.memref_slice %arg4[%dma_wait3A_504, %dma_wait3A_505] : memref<500000x64xf32, #tpu.memory_space<hbm>> -> memref<500000x64xf32, #tpu.memory_space<hbm>>
      tpu.wait_indirect_dma semaphore(%arg12 : memref<!tpu.dma_semaphore, #tpu.memory_space<semaphore_mem>>) src(%dma_wait3A_506 : memref<500000x64xf32, #tpu.memory_space<hbm>>) dst(%dma_wait3A_502 : memref<128x64xf32, #tpu.memory_space<vmem>>)
      %dma_wait3A_507 = arith.constant 384 : i32
      %dma_wait3A_508 = arith.constant 0 : i32
      %dma_wait3A_509 = tpu.memref_slice %arg11[%dma_wait3A_507, %dma_wait3A_508] : memref<512x64xf32, #tpu.memory_space<vmem>> -> memref<128x64xf32, #tpu.memory_space<vmem>>
      %dma_wait3A_510 = tpu.memref_slice %arg9[%mul3A_479] : memref<6912xi32, #tpu.memory_space<vmem>> -> memref<128xi32, #tpu.memory_space<vmem>>
      %dma_wait3A_511 = arith.constant 0 : i32
      %dma_wait3A_512 = arith.constant 0 : i32
      %dma_wait3A_513 = tpu.memref_slice %arg4[%dma_wait3A_511, %dma_wait3A_512] : memref<500000x64xf32, #tpu.memory_space<hbm>> -> memref<500000x64xf32, #tpu.memory_space<hbm>>
      tpu.wait_indirect_dma semaphore(%arg12 : memref<!tpu.dma_semaphore, #tpu.memory_space<semaphore_mem>>) src(%dma_wait3A_513 : memref<500000x64xf32, #tpu.memory_space<hbm>>) dst(%dma_wait3A_509 : memref<128x64xf32, #tpu.memory_space<vmem>>)
      %mul3A_514 = arith.constant 4 : i32
      %mul3A_515 = arith.muli %while3A_434, %mul3A_514 : i32
      %add3A_516 = arith.constant 0 : i32
      %add3A_517 = arith.addi %mul3A_515, %add3A_516 : i32
      %mul3A_518 = arith.constant 128 : i32
      %mul3A_519 = arith.muli %add3A_517, %mul3A_518 : i32
      %dma_start3A_520 = arith.constant 0 : i32
      %dma_start3A_521 = arith.constant 0 : i32
      %dma_start3A_522 = tpu.memref_slice %arg11[%dma_start3A_520, %dma_start3A_521] : memref<512x64xf32, #tpu.memory_space<vmem>> -> memref<128x64xf32, #tpu.memory_space<vmem>>
      %dma_start3A_523 = tpu.memref_slice %arg10[%mul3A_519] : memref<6912xi32, #tpu.memory_space<vmem>> -> memref<128xi32, #tpu.memory_space<vmem>>
      %dma_start3A_524 = arith.constant 0 : i32
      %dma_start3A_525 = arith.constant 0 : i32
      %dma_start3A_526 = tpu.memref_slice %arg5[%dma_start3A_524, %dma_start3A_525] : memref<204800x64xf32, #tpu.memory_space<hbm>> -> memref<204800x64xf32, #tpu.memory_space<hbm>>
      tpu.enqueue_indirect_dma source(%dma_start3A_522 : memref<128x64xf32, #tpu.memory_space<vmem>>) target(%dma_start3A_526 : memref<204800x64xf32, #tpu.memory_space<hbm>>) offsets(%dma_start3A_523 : memref<128xi32, #tpu.memory_space<vmem>>) semaphore(%arg13 : memref<!tpu.dma_semaphore, #tpu.memory_space<semaphore_mem>>)
      %mul3A_527 = arith.constant 4 : i32
      %mul3A_528 = arith.muli %while3A_434, %mul3A_527 : i32
      %add3A_529 = arith.constant 1 : i32
      %add3A_530 = arith.addi %mul3A_528, %add3A_529 : i32
      %mul3A_531 = arith.constant 128 : i32
      %mul3A_532 = arith.muli %add3A_530, %mul3A_531 : i32
      %dma_start3A_533 = arith.constant 128 : i32
      %dma_start3A_534 = arith.constant 0 : i32
      %dma_start3A_535 = tpu.memref_slice %arg11[%dma_start3A_533, %dma_start3A_534] : memref<512x64xf32, #tpu.memory_space<vmem>> -> memref<128x64xf32, #tpu.memory_space<vmem>>
      %dma_start3A_536 = tpu.memref_slice %arg10[%mul3A_532] : memref<6912xi32, #tpu.memory_space<vmem>> -> memref<128xi32, #tpu.memory_space<vmem>>
      %dma_start3A_537 = arith.constant 0 : i32
      %dma_start3A_538 = arith.constant 0 : i32
      %dma_start3A_539 = tpu.memref_slice %arg5[%dma_start3A_537, %dma_start3A_538] : memref<204800x64xf32, #tpu.memory_space<hbm>> -> memref<204800x64xf32, #tpu.memory_space<hbm>>
      tpu.enqueue_indirect_dma source(%dma_start3A_535 : memref<128x64xf32, #tpu.memory_space<vmem>>) target(%dma_start3A_539 : memref<204800x64xf32, #tpu.memory_space<hbm>>) offsets(%dma_start3A_536 : memref<128xi32, #tpu.memory_space<vmem>>) semaphore(%arg13 : memref<!tpu.dma_semaphore, #tpu.memory_space<semaphore_mem>>)
      %mul3A_540 = arith.constant 4 : i32
      %mul3A_541 = arith.muli %while3A_434, %mul3A_540 : i32
      %add3A_542 = arith.constant 2 : i32
      %add3A_543 = arith.addi %mul3A_541, %add3A_542 : i32
      %mul3A_544 = arith.constant 128 : i32
      %mul3A_545 = arith.muli %add3A_543, %mul3A_544 : i32
      %dma_start3A_546 = arith.constant 256 : i32
      %dma_start3A_547 = arith.constant 0 : i32
      %dma_start3A_548 = tpu.memref_slice %arg11[%dma_start3A_546, %dma_start3A_547] : memref<512x64xf32, #tpu.memory_space<vmem>> -> memref<128x64xf32, #tpu.memory_space<vmem>>
      %dma_start3A_549 = tpu.memref_slice %arg10[%mul3A_545] : memref<6912xi32, #tpu.memory_space<vmem>> -> memref<128xi32, #tpu.memory_space<vmem>>
      %dma_start3A_550 = arith.constant 0 : i32
      %dma_start3A_551 = arith.constant 0 : i32
      %dma_start3A_552 = tpu.memref_slice %arg5[%dma_start3A_550, %dma_start3A_551] : memref<204800x64xf32, #tpu.memory_space<hbm>> -> memref<204800x64xf32, #tpu.memory_space<hbm>>
      tpu.enqueue_indirect_dma source(%dma_start3A_548 : memref<128x64xf32, #tpu.memory_space<vmem>>) target(%dma_start3A_552 : memref<204800x64xf32, #tpu.memory_space<hbm>>) offsets(%dma_start3A_549 : memref<128xi32, #tpu.memory_space<vmem>>) semaphore(%arg13 : memref<!tpu.dma_semaphore, #tpu.memory_space<semaphore_mem>>)
      %mul3A_553 = arith.constant 4 : i32
      %mul3A_554 = arith.muli %while3A_434, %mul3A_553 : i32
      %add3A_555 = arith.constant 3 : i32
      %add3A_556 = arith.addi %mul3A_554, %add3A_555 : i32
      %mul3A_557 = arith.constant 128 : i32
      %mul3A_558 = arith.muli %add3A_556, %mul3A_557 : i32
      %dma_start3A_559 = arith.constant 384 : i32
      %dma_start3A_560 = arith.constant 0 : i32
      %dma_start3A_561 = tpu.memref_slice %arg11[%dma_start3A_559, %dma_start3A_560] : memref<512x64xf32, #tpu.memory_space<vmem>> -> memref<128x64xf32, #tpu.memory_space<vmem>>
      %dma_start3A_562 = tpu.memref_slice %arg10[%mul3A_558] : memref<6912xi32, #tpu.memory_space<vmem>> -> memref<128xi32, #tpu.memory_space<vmem>>
      %dma_start3A_563 = arith.constant 0 : i32
      %dma_start3A_564 = arith.constant 0 : i32
      %dma_start3A_565 = tpu.memref_slice %arg5[%dma_start3A_563, %dma_start3A_564] : memref<204800x64xf32, #tpu.memory_space<hbm>> -> memref<204800x64xf32, #tpu.memory_space<hbm>>
      tpu.enqueue_indirect_dma source(%dma_start3A_561 : memref<128x64xf32, #tpu.memory_space<vmem>>) target(%dma_start3A_565 : memref<204800x64xf32, #tpu.memory_space<hbm>>) offsets(%dma_start3A_562 : memref<128xi32, #tpu.memory_space<vmem>>) semaphore(%arg13 : memref<!tpu.dma_semaphore, #tpu.memory_space<semaphore_mem>>)
      %dma_wait3A_566 = arith.constant 0 : i32
      %dma_wait3A_567 = arith.constant 0 : i32
      %dma_wait3A_568 = tpu.memref_slice %arg11[%dma_wait3A_566, %dma_wait3A_567] : memref<512x64xf32, #tpu.memory_space<vmem>> -> memref<128x64xf32, #tpu.memory_space<vmem>>
      %dma_wait3A_569 = tpu.memref_slice %arg10[%mul3A_519] : memref<6912xi32, #tpu.memory_space<vmem>> -> memref<128xi32, #tpu.memory_space<vmem>>
      %dma_wait3A_570 = arith.constant 0 : i32
      %dma_wait3A_571 = arith.constant 0 : i32
      %dma_wait3A_572 = tpu.memref_slice %arg5[%dma_wait3A_570, %dma_wait3A_571] : memref<204800x64xf32, #tpu.memory_space<hbm>> -> memref<204800x64xf32, #tpu.memory_space<hbm>>
      tpu.wait_indirect_dma semaphore(%arg13 : memref<!tpu.dma_semaphore, #tpu.memory_space<semaphore_mem>>) src(%dma_wait3A_568 : memref<128x64xf32, #tpu.memory_space<vmem>>) dst(%dma_wait3A_572 : memref<204800x64xf32, #tpu.memory_space<hbm>>)
      %dma_wait3A_573 = arith.constant 128 : i32
      %dma_wait3A_574 = arith.constant 0 : i32
      %dma_wait3A_575 = tpu.memref_slice %arg11[%dma_wait3A_573, %dma_wait3A_574] : memref<512x64xf32, #tpu.memory_space<vmem>> -> memref<128x64xf32, #tpu.memory_space<vmem>>
      %dma_wait3A_576 = tpu.memref_slice %arg10[%mul3A_532] : memref<6912xi32, #tpu.memory_space<vmem>> -> memref<128xi32, #tpu.memory_space<vmem>>
      %dma_wait3A_577 = arith.constant 0 : i32
      %dma_wait3A_578 = arith.constant 0 : i32
      %dma_wait3A_579 = tpu.memref_slice %arg5[%dma_wait3A_577, %dma_wait3A_578] : memref<204800x64xf32, #tpu.memory_space<hbm>> -> memref<204800x64xf32, #tpu.memory_space<hbm>>
      tpu.wait_indirect_dma semaphore(%arg13 : memref<!tpu.dma_semaphore, #tpu.memory_space<semaphore_mem>>) src(%dma_wait3A_575 : memref<128x64xf32, #tpu.memory_space<vmem>>) dst(%dma_wait3A_579 : memref<204800x64xf32, #tpu.memory_space<hbm>>)
      %dma_wait3A_580 = arith.constant 256 : i32
      %dma_wait3A_581 = arith.constant 0 : i32
      %dma_wait3A_582 = tpu.memref_slice %arg11[%dma_wait3A_580, %dma_wait3A_581] : memref<512x64xf32, #tpu.memory_space<vmem>> -> memref<128x64xf32, #tpu.memory_space<vmem>>
      %dma_wait3A_583 = tpu.memref_slice %arg10[%mul3A_545] : memref<6912xi32, #tpu.memory_space<vmem>> -> memref<128xi32, #tpu.memory_space<vmem>>
      %dma_wait3A_584 = arith.constant 0 : i32
      %dma_wait3A_585 = arith.constant 0 : i32
      %dma_wait3A_586 = tpu.memref_slice %arg5[%dma_wait3A_584, %dma_wait3A_585] : memref<204800x64xf32, #tpu.memory_space<hbm>> -> memref<204800x64xf32, #tpu.memory_space<hbm>>
      tpu.wait_indirect_dma semaphore(%arg13 : memref<!tpu.dma_semaphore, #tpu.memory_space<semaphore_mem>>) src(%dma_wait3A_582 : memref<128x64xf32, #tpu.memory_space<vmem>>) dst(%dma_wait3A_586 : memref<204800x64xf32, #tpu.memory_space<hbm>>)
      %dma_wait3A_587 = arith.constant 384 : i32
      %dma_wait3A_588 = arith.constant 0 : i32
      %dma_wait3A_589 = tpu.memref_slice %arg11[%dma_wait3A_587, %dma_wait3A_588] : memref<512x64xf32, #tpu.memory_space<vmem>> -> memref<128x64xf32, #tpu.memory_space<vmem>>
      %dma_wait3A_590 = tpu.memref_slice %arg10[%mul3A_558] : memref<6912xi32, #tpu.memory_space<vmem>> -> memref<128xi32, #tpu.memory_space<vmem>>
      %dma_wait3A_591 = arith.constant 0 : i32
      %dma_wait3A_592 = arith.constant 0 : i32
      %dma_wait3A_593 = tpu.memref_slice %arg5[%dma_wait3A_591, %dma_wait3A_592] : memref<204800x64xf32, #tpu.memory_space<hbm>> -> memref<204800x64xf32, #tpu.memory_space<hbm>>
      tpu.wait_indirect_dma semaphore(%arg13 : memref<!tpu.dma_semaphore, #tpu.memory_space<semaphore_mem>>) src(%dma_wait3A_589 : memref<128x64xf32, #tpu.memory_space<vmem>>) dst(%dma_wait3A_593 : memref<204800x64xf32, #tpu.memory_space<hbm>>)
      %while3A_594 = arith.constant 0 : i32
      scf.yield %while3A_594 : i32
    }
    %while3A_432 = arith.constant 1 : i32
    %while3A_433 = scf.for %while3A_434 = %while3A_429 to %while3A_425 step %while3A_432 iter_args(%while3A_435 = %while3A_431) -> (i32)  : i32 {
      %mul3A_436 = arith.constant 4 : i32
      %mul3A_437 = arith.muli %while3A_434, %mul3A_436 : i32
      %add3A_438 = arith.constant 0 : i32
      %add3A_439 = arith.addi %mul3A_437, %add3A_438 : i32
      %mul3A_440 = arith.constant 128 : i32
      %mul3A_441 = arith.muli %add3A_439, %mul3A_440 : i32
      %dma_start3A = arith.constant 0 : i32
      %dma_start3A_442 = arith.constant 0 : i32
      %dma_start3A_443 = tpu.memref_slice %arg11[%dma_start3A, %dma_start3A_442] : memref<512x64xf32, #tpu.memory_space<vmem>> -> memref<128x64xf32, #tpu.memory_space<vmem>>
      %dma_start3A_444 = tpu.memref_slice %arg9[%mul3A_441] : memref<6912xi32, #tpu.memory_space<vmem>> -> memref<128xi32, #tpu.memory_space<vmem>>
      %dma_start3A_445 = arith.constant 0 : i32
      %dma_start3A_446 = arith.constant 0 : i32
      %dma_start3A_447 = tpu.memref_slice %arg4[%dma_start3A_445, %dma_start3A_446] : memref<500000x64xf32, #tpu.memory_space<hbm>> -> memref<500000x64xf32, #tpu.memory_space<hbm>>
      tpu.enqueue_indirect_dma source(%dma_start3A_447 : memref<500000x64xf32, #tpu.memory_space<hbm>>) target(%dma_start3A_443 : memref<128x64xf32, #tpu.memory_space<vmem>>) offsets(%dma_start3A_444 : memref<128xi32, #tpu.memory_space<vmem>>) semaphore(%arg12 : memref<!tpu.dma_semaphore, #tpu.memory_space<semaphore_mem>>)
      %mul3A_448 = arith.constant 4 : i32
      %mul3A_449 = arith.muli %while3A_434, %mul3A_448 : i32
      %add3A_450 = arith.constant 1 : i32
      %add3A_451 = arith.addi %mul3A_449, %add3A_450 : i32
      %mul3A_452 = arith.constant 128 : i32
      %mul3A_453 = arith.muli %add3A_451, %mul3A_452 : i32
      %dma_start3A_454 = arith.constant 128 : i32
      %dma_start3A_455 = arith.constant 0 : i32
      %dma_start3A_456 = tpu.memref_slice %arg11[%dma_start3A_454, %dma_start3A_455] : memref<512x64xf32, #tpu.memory_space<vmem>> -> memref<128x64xf32, #tpu.memory_space<vmem>>
      %dma_start3A_457 = tpu.memref_slice %arg9[%mul3A_453] : memref<6912xi32, #tpu.memory_space<vmem>> -> memref<128xi32, #tpu.memory_space<vmem>>
      %dma_start3A_458 = arith.constant 0 : i32
      %dma_start3A_459 = arith.constant 0 : i32
      %dma_start3A_460 = tpu.memref_slice %arg4[%dma_start3A_458, %dma_start3A_459] : memref<500000x64xf32, #tpu.memory_space<hbm>> -> memref<500000x64xf32, #tpu.memory_space<hbm>>
      tpu.enqueue_indirect_dma source(%dma_start3A_460 : memref<500000x64xf32, #tpu.memory_space<hbm>>) target(%dma_start3A_456 : memref<128x64xf32, #tpu.memory_space<vmem>>) offsets(%dma_start3A_457 : memref<128xi32, #tpu.memory_space<vmem>>) semaphore(%arg12 : memref<!tpu.dma_semaphore, #tpu.memory_space<semaphore_mem>>)
      %mul3A_461 = arith.constant 4 : i32
      %mul3A_462 = arith.muli %while3A_434, %mul3A_461 : i32
      %add3A_463 = arith.constant 2 : i32
      %add3A_464 = arith.addi %mul3A_462, %add3A_463 : i32
      %mul3A_465 = arith.constant 128 : i32
      %mul3A_466 = arith.muli %add3A_464, %mul3A_465 : i32
      %dma_start3A_467 = arith.constant 256 : i32
      %dma_start3A_468 = arith.constant 0 : i32
      %dma_start3A_469 = tpu.memref_slice %arg11[%dma_start3A_467, %dma_start3A_468] : memref<512x64xf32, #tpu.memory_space<vmem>> -> memref<128x64xf32, #tpu.memory_space<vmem>>
      %dma_start3A_470 = tpu.memref_slice %arg9[%mul3A_466] : memref<6912xi32, #tpu.memory_space<vmem>> -> memref<128xi32, #tpu.memory_space<vmem>>
      %dma_start3A_471 = arith.constant 0 : i32
      %dma_start3A_472 = arith.constant 0 : i32
      %dma_start3A_473 = tpu.memref_slice %arg4[%dma_start3A_471, %dma_start3A_472] : memref<500000x64xf32, #tpu.memory_space<hbm>> -> memref<500000x64xf32, #tpu.memory_space<hbm>>
      tpu.enqueue_indirect_dma source(%dma_start3A_473 : memref<500000x64xf32, #tpu.memory_space<hbm>>) target(%dma_start3A_469 : memref<128x64xf32, #tpu.memory_space<vmem>>) offsets(%dma_start3A_470 : memref<128xi32, #tpu.memory_space<vmem>>) semaphore(%arg12 : memref<!tpu.dma_semaphore, #tpu.memory_space<semaphore_mem>>)
      %mul3A_474 = arith.constant 4 : i32
      %mul3A_475 = arith.muli %while3A_434, %mul3A_474 : i32
      %add3A_476 = arith.constant 3 : i32
      %add3A_477 = arith.addi %mul3A_475, %add3A_476 : i32
      %mul3A_478 = arith.constant 128 : i32
      %mul3A_479 = arith.muli %add3A_477, %mul3A_478 : i32
      %dma_start3A_480 = arith.constant 384 : i32
      %dma_start3A_481 = arith.constant 0 : i32
      %dma_start3A_482 = tpu.memref_slice %arg11[%dma_start3A_480, %dma_start3A_481] : memref<512x64xf32, #tpu.memory_space<vmem>> -> memref<128x64xf32, #tpu.memory_space<vmem>>
      %dma_start3A_483 = tpu.memref_slice %arg9[%mul3A_479] : memref<6912xi32, #tpu.memory_space<vmem>> -> memref<128xi32, #tpu.memory_space<vmem>>
      %dma_start3A_484 = arith.constant 0 : i32
      %dma_start3A_485 = arith.constant 0 : i32
      %dma_start3A_486 = tpu.memref_slice %arg4[%dma_start3A_484, %dma_start3A_485] : memref<500000x64xf32, #tpu.memory_space<hbm>> -> memref<500000x64xf32, #tpu.memory_space<hbm>>
      tpu.enqueue_indirect_dma source(%dma_start3A_486 : memref<500000x64xf32, #tpu.memory_space<hbm>>) target(%dma_start3A_482 : memref<128x64xf32, #tpu.memory_space<vmem>>) offsets(%dma_start3A_483 : memref<128xi32, #tpu.memory_space<vmem>>) semaphore(%arg12 : memref<!tpu.dma_semaphore, #tpu.memory_space<semaphore_mem>>)
      %dma_wait3A = arith.constant 0 : i32
      %dma_wait3A_487 = arith.constant 0 : i32
      %dma_wait3A_488 = tpu.memref_slice %arg11[%dma_wait3A, %dma_wait3A_487] : memref<512x64xf32, #tpu.memory_space<vmem>> -> memref<128x64xf32, #tpu.memory_space<vmem>>
      %dma_wait3A_489 = tpu.memref_slice %arg9[%mul3A_441] : memref<6912xi32, #tpu.memory_space<vmem>> -> memref<128xi32, #tpu.memory_space<vmem>>
      %dma_wait3A_490 = arith.constant 0 : i32
      %dma_wait3A_491 = arith.constant 0 : i32
      %dma_wait3A_492 = tpu.memref_slice %arg4[%dma_wait3A_490, %dma_wait3A_491] : memref<500000x64xf32, #tpu.memory_space<hbm>> -> memref<500000x64xf32, #tpu.memory_space<hbm>>
      tpu.wait_indirect_dma semaphore(%arg12 : memref<!tpu.dma_semaphore, #tpu.memory_space<semaphore_mem>>) src(%dma_wait3A_492 : memref<500000x64xf32, #tpu.memory_space<hbm>>) dst(%dma_wait3A_488 : memref<128x64xf32, #tpu.memory_space<vmem>>)
      %dma_wait3A_493 = arith.constant 128 : i32
      %dma_wait3A_494 = arith.constant 0 : i32
      %dma_wait3A_495 = tpu.memref_slice %arg11[%dma_wait3A_493, %dma_wait3A_494] : memref<512x64xf32, #tpu.memory_space<vmem>> -> memref<128x64xf32, #tpu.memory_space<vmem>>
      %dma_wait3A_496 = tpu.memref_slice %arg9[%mul3A_453] : memref<6912xi32, #tpu.memory_space<vmem>> -> memref<128xi32, #tpu.memory_space<vmem>>
      %dma_wait3A_497 = arith.constant 0 : i32
      %dma_wait3A_498 = arith.constant 0 : i32
      %dma_wait3A_499 = tpu.memref_slice %arg4[%dma_wait3A_497, %dma_wait3A_498] : memref<500000x64xf32, #tpu.memory_space<hbm>> -> memref<500000x64xf32, #tpu.memory_space<hbm>>
      tpu.wait_indirect_dma semaphore(%arg12 : memref<!tpu.dma_semaphore, #tpu.memory_space<semaphore_mem>>) src(%dma_wait3A_499 : memref<500000x64xf32, #tpu.memory_space<hbm>>) dst(%dma_wait3A_495 : memref<128x64xf32, #tpu.memory_space<vmem>>)
      %dma_wait3A_500 = arith.constant 256 : i32
      %dma_wait3A_501 = arith.constant 0 : i32
      %dma_wait3A_502 = tpu.memref_slice %arg11[%dma_wait3A_500, %dma_wait3A_501] : memref<512x64xf32, #tpu.memory_space<vmem>> -> memref<128x64xf32, #tpu.memory_space<vmem>>
      %dma_wait3A_503 = tpu.memref_slice %arg9[%mul3A_466] : memref<6912xi32, #tpu.memory_space<vmem>> -> memref<128xi32, #tpu.memory_space<vmem>>
      %dma_wait3A_504 = arith.constant 0 : i32
      %dma_wait3A_505 = arith.constant 0 : i32
      %dma_wait3A_506 = tpu.memref_slice %arg4[%dma_wait3A_504, %dma_wait3A_505] : memref<500000x64xf32, #tpu.memory_space<hbm>> -> memref<500000x64xf32, #tpu.memory_space<hbm>>
      tpu.wait_indirect_dma semaphore(%arg12 : memref<!tpu.dma_semaphore, #tpu.memory_space<semaphore_mem>>) src(%dma_wait3A_506 : memref<500000x64xf32, #tpu.memory_space<hbm>>) dst(%dma_wait3A_502 : memref<128x64xf32, #tpu.memory_space<vmem>>)
      %dma_wait3A_507 = arith.constant 384 : i32
      %dma_wait3A_508 = arith.constant 0 : i32
      %dma_wait3A_509 = tpu.memref_slice %arg11[%dma_wait3A_507, %dma_wait3A_508] : memref<512x64xf32, #tpu.memory_space<vmem>> -> memref<128x64xf32, #tpu.memory_space<vmem>>
      %dma_wait3A_510 = tpu.memref_slice %arg9[%mul3A_479] : memref<6912xi32, #tpu.memory_space<vmem>> -> memref<128xi32, #tpu.memory_space<vmem>>
      %dma_wait3A_511 = arith.constant 0 : i32
      %dma_wait3A_512 = arith.constant 0 : i32
      %dma_wait3A_513 = tpu.memref_slice %arg4[%dma_wait3A_511, %dma_wait3A_512] : memref<500000x64xf32, #tpu.memory_space<hbm>> -> memref<500000x64xf32, #tpu.memory_space<hbm>>
      tpu.wait_indirect_dma semaphore(%arg12 : memref<!tpu.dma_semaphore, #tpu.memory_space<semaphore_mem>>) src(%dma_wait3A_513 : memref<500000x64xf32, #tpu.memory_space<hbm>>) dst(%dma_wait3A_509 : memref<128x64xf32, #tpu.memory_space<vmem>>)
      %mul3A_514 = arith.constant 4 : i32
      %mul3A_515 = arith.muli %while3A_434, %mul3A_514 : i32
      %add3A_516 = arith.constant 0 : i32
      %add3A_517 = arith.addi %mul3A_515, %add3A_516 : i32
      %mul3A_518 = arith.constant 128 : i32
      %mul3A_519 = arith.muli %add3A_517, %mul3A_518 : i32
      %dma_start3A_520 = arith.constant 0 : i32
      %dma_start3A_521 = arith.constant 0 : i32
      %dma_start3A_522 = tpu.memref_slice %arg11[%dma_start3A_520, %dma_start3A_521] : memref<512x64xf32, #tpu.memory_space<vmem>> -> memref<128x64xf32, #tpu.memory_space<vmem>>
      %dma_start3A_523 = tpu.memref_slice %arg10[%mul3A_519] : memref<6912xi32, #tpu.memory_space<vmem>> -> memref<128xi32, #tpu.memory_space<vmem>>
      %dma_start3A_524 = arith.constant 0 : i32
      %dma_start3A_525 = arith.constant 0 : i32
      %dma_start3A_526 = tpu.memref_slice %arg5[%dma_start3A_524, %dma_start3A_525] : memref<204800x64xf32, #tpu.memory_space<hbm>> -> memref<204800x64xf32, #tpu.memory_space<hbm>>
      tpu.enqueue_indirect_dma source(%dma_start3A_522 : memref<128x64xf32, #tpu.memory_space<vmem>>) target(%dma_start3A_526 : memref<204800x64xf32, #tpu.memory_space<hbm>>) offsets(%dma_start3A_523 : memref<128xi32, #tpu.memory_space<vmem>>) semaphore(%arg13 : memref<!tpu.dma_semaphore, #tpu.memory_space<semaphore_mem>>)
      %mul3A_527 = arith.constant 4 : i32
      %mul3A_528 = arith.muli %while3A_434, %mul3A_527 : i32
      %add3A_529 = arith.constant 1 : i32
      %add3A_530 = arith.addi %mul3A_528, %add3A_529 : i32
      %mul3A_531 = arith.constant 128 : i32
      %mul3A_532 = arith.muli %add3A_530, %mul3A_531 : i32
      %dma_start3A_533 = arith.constant 128 : i32
      %dma_start3A_534 = arith.constant 0 : i32
      %dma_start3A_535 = tpu.memref_slice %arg11[%dma_start3A_533, %dma_start3A_534] : memref<512x64xf32, #tpu.memory_space<vmem>> -> memref<128x64xf32, #tpu.memory_space<vmem>>
      %dma_start3A_536 = tpu.memref_slice %arg10[%mul3A_532] : memref<6912xi32, #tpu.memory_space<vmem>> -> memref<128xi32, #tpu.memory_space<vmem>>
      %dma_start3A_537 = arith.constant 0 : i32
      %dma_start3A_538 = arith.constant 0 : i32
      %dma_start3A_539 = tpu.memref_slice %arg5[%dma_start3A_537, %dma_start3A_538] : memref<204800x64xf32, #tpu.memory_space<hbm>> -> memref<204800x64xf32, #tpu.memory_space<hbm>>
      tpu.enqueue_indirect_dma source(%dma_start3A_535 : memref<128x64xf32, #tpu.memory_space<vmem>>) target(%dma_start3A_539 : memref<204800x64xf32, #tpu.memory_space<hbm>>) offsets(%dma_start3A_536 : memref<128xi32, #tpu.memory_space<vmem>>) semaphore(%arg13 : memref<!tpu.dma_semaphore, #tpu.memory_space<semaphore_mem>>)
      %mul3A_540 = arith.constant 4 : i32
      %mul3A_541 = arith.muli %while3A_434, %mul3A_540 : i32
      %add3A_542 = arith.constant 2 : i32
      %add3A_543 = arith.addi %mul3A_541, %add3A_542 : i32
      %mul3A_544 = arith.constant 128 : i32
      %mul3A_545 = arith.muli %add3A_543, %mul3A_544 : i32
      %dma_start3A_546 = arith.constant 256 : i32
      %dma_start3A_547 = arith.constant 0 : i32
      %dma_start3A_548 = tpu.memref_slice %arg11[%dma_start3A_546, %dma_start3A_547] : memref<512x64xf32, #tpu.memory_space<vmem>> -> memref<128x64xf32, #tpu.memory_space<vmem>>
      %dma_start3A_549 = tpu.memref_slice %arg10[%mul3A_545] : memref<6912xi32, #tpu.memory_space<vmem>> -> memref<128xi32, #tpu.memory_space<vmem>>
      %dma_start3A_550 = arith.constant 0 : i32
      %dma_start3A_551 = arith.constant 0 : i32
      %dma_start3A_552 = tpu.memref_slice %arg5[%dma_start3A_550, %dma_start3A_551] : memref<204800x64xf32, #tpu.memory_space<hbm>> -> memref<204800x64xf32, #tpu.memory_space<hbm>>
      tpu.enqueue_indirect_dma source(%dma_start3A_548 : memref<128x64xf32, #tpu.memory_space<vmem>>) target(%dma_start3A_552 : memref<204800x64xf32, #tpu.memory_space<hbm>>) offsets(%dma_start3A_549 : memref<128xi32, #tpu.memory_space<vmem>>) semaphore(%arg13 : memref<!tpu.dma_semaphore, #tpu.memory_space<semaphore_mem>>)
      %mul3A_553 = arith.constant 4 : i32
      %mul3A_554 = arith.muli %while3A_434, %mul3A_553 : i32
      %add3A_555 = arith.constant 3 : i32
      %add3A_556 = arith.addi %mul3A_554, %add3A_555 : i32
      %mul3A_557 = arith.constant 128 : i32
      %mul3A_558 = arith.muli %add3A_556, %mul3A_557 : i32
      %dma_start3A_559 = arith.constant 384 : i32
      %dma_start3A_560 = arith.constant 0 : i32
      %dma_start3A_561 = tpu.memref_slice %arg11[%dma_start3A_559, %dma_start3A_560] : memref<512x64xf32, #tpu.memory_space<vmem>> -> memref<128x64xf32, #tpu.memory_space<vmem>>
      %dma_start3A_562 = tpu.memref_slice %arg10[%mul3A_558] : memref<6912xi32, #tpu.memory_space<vmem>> -> memref<128xi32, #tpu.memory_space<vmem>>
      %dma_start3A_563 = arith.constant 0 : i32
      %dma_start3A_564 = arith.constant 0 : i32
      %dma_start3A_565 = tpu.memref_slice %arg5[%dma_start3A_563, %dma_start3A_564] : memref<204800x64xf32, #tpu.memory_space<hbm>> -> memref<204800x64xf32, #tpu.memory_space<hbm>>
      tpu.enqueue_indirect_dma source(%dma_start3A_561 : memref<128x64xf32, #tpu.memory_space<vmem>>) target(%dma_start3A_565 : memref<204800x64xf32, #tpu.memory_space<hbm>>) offsets(%dma_start3A_562 : memref<128xi32, #tpu.memory_space<vmem>>) semaphore(%arg13 : memref<!tpu.dma_semaphore, #tpu.memory_space<semaphore_mem>>)
      %dma_wait3A_566 = arith.constant 0 : i32
      %dma_wait3A_567 = arith.constant 0 : i32
      %dma_wait3A_568 = tpu.memref_slice %arg11[%dma_wait3A_566, %dma_wait3A_567] : memref<512x64xf32, #tpu.memory_space<vmem>> -> memref<128x64xf32, #tpu.memory_space<vmem>>
      %dma_wait3A_569 = tpu.memref_slice %arg10[%mul3A_519] : memref<6912xi32, #tpu.memory_space<vmem>> -> memref<128xi32, #tpu.memory_space<vmem>>
      %dma_wait3A_570 = arith.constant 0 : i32
      %dma_wait3A_571 = arith.constant 0 : i32
      %dma_wait3A_572 = tpu.memref_slice %arg5[%dma_wait3A_570, %dma_wait3A_571] : memref<204800x64xf32, #tpu.memory_space<hbm>> -> memref<204800x64xf32, #tpu.memory_space<hbm>>
      tpu.wait_indirect_dma semaphore(%arg13 : memref<!tpu.dma_semaphore, #tpu.memory_space<semaphore_mem>>) src(%dma_wait3A_568 : memref<128x64xf32, #tpu.memory_space<vmem>>) dst(%dma_wait3A_572 : memref<204800x64xf32, #tpu.memory_space<hbm>>)
      %dma_wait3A_573 = arith.constant 128 : i32
      %dma_wait3A_574 = arith.constant 0 : i32
      %dma_wait3A_575 = tpu.memref_slice %arg11[%dma_wait3A_573, %dma_wait3A_574] : memref<512x64xf32, #tpu.memory_space<vmem>> -> memref<128x64xf32, #tpu.memory_space<vmem>>
      %dma_wait3A_576 = tpu.memref_slice %arg10[%mul3A_532] : memref<6912xi32, #tpu.memory_space<vmem>> -> memref<128xi32, #tpu.memory_space<vmem>>
      %dma_wait3A_577 = arith.constant 0 : i32
      %dma_wait3A_578 = arith.constant 0 : i32
      %dma_wait3A_579 = tpu.memref_slice %arg5[%dma_wait3A_577, %dma_wait3A_578] : memref<204800x64xf32, #tpu.memory_space<hbm>> -> memref<204800x64xf32, #tpu.memory_space<hbm>>
      tpu.wait_indirect_dma semaphore(%arg13 : memref<!tpu.dma_semaphore, #tpu.memory_space<semaphore_mem>>) src(%dma_wait3A_575 : memref<128x64xf32, #tpu.memory_space<vmem>>) dst(%dma_wait3A_579 : memref<204800x64xf32, #tpu.memory_space<hbm>>)
      %dma_wait3A_580 = arith.constant 256 : i32
      %dma_wait3A_581 = arith.constant 0 : i32
      %dma_wait3A_582 = tpu.memref_slice %arg11[%dma_wait3A_580, %dma_wait3A_581] : memref<512x64xf32, #tpu.memory_space<vmem>> -> memref<128x64xf32, #tpu.memory_space<vmem>>
      %dma_wait3A_583 = tpu.memref_slice %arg10[%mul3A_545] : memref<6912xi32, #tpu.memory_space<vmem>> -> memref<128xi32, #tpu.memory_space<vmem>>
      %dma_wait3A_584 = arith.constant 0 : i32
      %dma_wait3A_585 = arith.constant 0 : i32
      %dma_wait3A_586 = tpu.memref_slice %arg5[%dma_wait3A_584, %dma_wait3A_585] : memref<204800x64xf32, #tpu.memory_space<hbm>> -> memref<204800x64xf32, #tpu.memory_space<hbm>>
      tpu.wait_indirect_dma semaphore(%arg13 : memref<!tpu.dma_semaphore, #tpu.memory_space<semaphore_mem>>) src(%dma_wait3A_582 : memref<128x64xf32, #tpu.memory_space<vmem>>) dst(%dma_wait3A_586 : memref<204800x64xf32, #tpu.memory_space<hbm>>)
      %dma_wait3A_587 = arith.constant 384 : i32
      %dma_wait3A_588 = arith.constant 0 : i32
      %dma_wait3A_589 = tpu.memref_slice %arg11[%dma_wait3A_587, %dma_wait3A_588] : memref<512x64xf32, #tpu.memory_space<vmem>> -> memref<128x64xf32, #tpu.memory_space<vmem>>
      %dma_wait3A_590 = tpu.memref_slice %arg10[%mul3A_558] : memref<6912xi32, #tpu.memory_space<vmem>> -> memref<128xi32, #tpu.memory_space<vmem>>
      %dma_wait3A_591 = arith.constant 0 : i32
      %dma_wait3A_592 = arith.constant 0 : i32
      %dma_wait3A_593 = tpu.memref_slice %arg5[%dma_wait3A_591, %dma_wait3A_592] : memref<204800x64xf32, #tpu.memory_space<hbm>> -> memref<204800x64xf32, #tpu.memory_space<hbm>>
      tpu.wait_indirect_dma semaphore(%arg13 : memref<!tpu.dma_semaphore, #tpu.memory_space<semaphore_mem>>) src(%dma_wait3A_589 : memref<128x64xf32, #tpu.memory_space<vmem>>) dst(%dma_wait3A_593 : memref<204800x64xf32, #tpu.memory_space<hbm>>)
      %while3A_594 = arith.constant 0 : i32
      scf.yield %while3A_594 : i32
    }
    return
  }
}

</mosaic_0001>

<sc_bundles>
// kernel: kernel.3.cloned.1.call-start
scs
__scs_entry_jumppad:
0x0: {  	(pc) =	sbr.rel $0x88, $3  }
0x1: {  	(tag) =	ssettag $0x0;
	lr =	simm.s32 $0x1  }
0x2: {  	[smem:$0x3F9E] =	sst lr;
	_ =	strace $0xD0000000  }
0x3: {  	_ = 	snop  }
0x4: {  	_ = 	snop  }
0x5: {  	_ = 	snop  }
0x6: {  	_ = 	snop  }
0x7: {  	_ = 	snop  }
__scs_overlays_trampoline_lowered:
0x8: {  	[smem:$0x3FAD] =	sst s0  }
0x9: {  	[smem:$0x3FAE] =	sst s1  }
0xa: {  	[smem:$0x3FAF] =	sst s2  }
0xb: {  	[smem:$0x3FB0] =	sst s3  }
0xc: {  	[smem:$0x3FB1] =	sst s4  }
0xd: {  	[smem:$0x3FB2] =	sst s5  }
0xe: {  	[smem:$0x3FB3] =	sst s6  }
0xf: {  	[smem:$0x3FB4] =	sst s7  }
0x10: {  	[smem:$0x3FB5] =	sst s8  }
0x11: {  	[smem:$0x3FB6] =	sst s9;
	s0 =	simm.s32 @!p0 $0x0  }
0x12: {  	s1 =	sld [smem:$0x3F9C];
	s0 =	simm.s32 @p0 $0x1  }
0x13: {  	[smem:$0x3FB7] =	sst s0;
	s0 =	simm.s32 @!p1 $0x0  }
0x14: {  	s2 =	sld [smem:$0x3F9B];
	s0 =	simm.s32 @p1 $0x1  }
0x15: {  	[smem:$0x3FB8] =	sst s0;
	s0 =	simm.s32 @!p2 $0x0  }
0x16: {  	s3 =	sld [smem:$0x3FDB];
	s0 =	simm.s32 @p2 $0x1  }
0x17: {  	s4 =	simm.s32 $0x1BF5;
	[smem:$0x3FBA] =	sst s0  }
0x18: {  	s0 =	sld [smem:$0x3F9D];
	_ =	swait.ge [sflag:s4], $0x0  }
0x19: {  	s7 =	sld [smem:$0x3F9E]  }
0x1a: {  	s8 =	sadd.s32 $0xFFFFE003, lr  }
0x1b: {  	s9 =	sadd.s32 $0xFFFFFEF7, lr;
	s5 =	simm.s32 $0xFFFFFFFF;
	p2 =	slt.u32 s8, $0xFFFFF086  }
0x1c: {  	p1 =	slt.u32 s9, $0xF7A;
	s5 =	simm.s32 @!p2 $0x0  }
0x1d: {  	s5 =	simm.s32 @p1 $0x1;
	p0 =	seq.s32 s7, s2  }
0x1e: {  	s7 =	smul.u32 @!p0 $0xF7A, s2;
	p2 =	seq.s32 @!p0 s5, $0x0  }
0x1f: {  	s9 =	smul.u32 $0xF7A, s1;
	s8 =	simm.s32 @!p0 $0x1BF5;
	p2 =	por !p2, p0  }
0x20: {  	[sflag:s8] =	ssyncset.s32 @!p0 $0xFFFFF086;
	s6 =	sadd.s32 @!p0 s3, s7;
	s7 =	simm.s32 @!p0 $0x108  }
0x21: {  	s3 =	sadd.s32 s3, s9;
	s6 =	sadd.s32 @!p0 $0x88, s6;
	s7 =	simm.s32 @p2 $0x1082  }
0x22: {  	[simem:s7], [sflag:s8] =	dma.local @!p0 [hbm:s6], $0xF7A  }
0x23: {  	s9 =	sor.u32 $0xD0000000, s2;
	s6 =	simm.s32 $0x108;
	_ =	swait.ge @!p0 [sflag:s8], $0x0  }
0x24: {  	s3 =	sadd.s32 $0x88, s3;
	s6 =	simm.s32 @!p1 $0x1082;
	[sflag:s4] =	ssyncset.s32 $0xFFFFF086  }
0x25: {  	[simem:s6], [sflag:s4] =	dma.local [hbm:s3], $0xF7A  }
0x26: {  	[smem:$0x3F9E] =	sst s1;
	(tag) =	ssettag s2;
	_ =	strace s9  }
0x27: {  	s1 =	sld [smem:$0x3FAE]  }
0x28: {  	s2 =	sld [smem:$0x3FAF]  }
0x29: {  	s4 =	sld [smem:$0x3FB1]  }
0x2a: {  	p0 =	seq.s32 s5, $0x0;
	s5 =	sld [smem:$0x3FB2]  }
0x2b: {  	s6 =	sld [smem:$0x3FB3]  }
0x2c: {  	s7 =	sld [smem:$0x3FB4]  }
0x2d: {  	s3 =	simm.s32 $0x108;
	s8 =	sld [smem:$0x3FB5]  }
0x2e: {  	s3 =	simm.s32 @!p0 $0x1082;
	s9 =	sld [smem:$0x3FB6]  }
0x2f: {  	lr =	sadd.s32 s0, s3;
	s0 =	sld [smem:$0x3FAD]  }
0x30: {  	s3 =	sld [smem:$0x3FB0]  }
0x31: {  	[smem:$0x3FB9] =	sst s10  }
0x32: {  	s10 =	sld [smem:$0x3FB7];
	_ =	sdelay $0x3  }
0x33: {  	p0 =	seq.s32 s10, $0x1;
	s10 =	sld [smem:$0x3FB9];
	_ =	sdelay $0x3  }
0x34: {  	[smem:$0x3FB9] =	sst s10  }
0x35: {  	s10 =	sld [smem:$0x3FB8];
	_ =	sdelay $0x3  }
0x36: {  	p1 =	seq.s32 s10, $0x1;
	s10 =	sld [smem:$0x3FB9];
	_ =	sdelay $0x3  }
0x37: {  	[smem:$0x3FB9] =	sst s10  }
0x38: {  	s10 =	sld [smem:$0x3FBA]  }
0x39: {  	_ = 	snop;
	(pc) =	sbr.ind lr, $3  }
0x3a: {  	_ = 	snop  }
0x3b: {  	_ = 	snop  }
0x3c: {  	p2 =	seq.s32 s10, $0x1;
	s10 =	sld [smem:$0x3FB9]  }
0x3d: {  	_ =	shalt  }
0x3e: {  	_ =	shalt  }
0x3f: {  	_ =	shalt  }
0x40: {  	_ =	shalt  }
0x41: {  	_ =	shalt  }
0x42: {  	_ =	shalt  }
0x43: {  	_ =	shalt  }
0x44: {  	_ =	shalt  }
0x45: {  	_ =	shalt  }
0x46: {  	_ =	shalt  }
0x47: {  	_ =	shalt  }
0x48: {  	_ =	shalt  }
0x49: {  	_ =	shalt  }
0x4a: {  	_ =	shalt  }
0x4b: {  	_ =	shalt  }
0x4c: {  	_ =	shalt  }
0x4d: {  	_ =	shalt  }
0x4e: {  	_ =	shalt  }
0x4f: {  	_ =	shalt  }
0x50: {  	_ =	shalt  }
0x51: {  	_ =	shalt  }
0x52: {  	_ =	shalt  }
0x53: {  	_ =	shalt  }
0x54: {  	_ =	shalt  }
0x55: {  	_ =	shalt  }
0x56: {  	_ =	shalt  }
0x57: {  	_ =	shalt  }
0x58: {  	_ =	shalt  }
0x59: {  	_ =	shalt  }
0x5a: {  	_ =	shalt  }
0x5b: {  	_ =	shalt  }
0x5c: {  	_ =	shalt  }
0x5d: {  	_ =	shalt  }
0x5e: {  	_ =	shalt  }
0x5f: {  	_ =	shalt  }
0x60: {  	_ =	shalt  }
0x61: {  	_ =	shalt  }
0x62: {  	_ =	shalt  }
0x63: {  	_ =	shalt  }
0x64: {  	_ =	shalt  }
0x65: {  	_ =	shalt  }
0x66: {  	_ =	shalt  }
0x67: {  	_ =	shalt  }
0x68: {  	_ =	shalt  }
0x69: {  	_ =	shalt  }
0x6a: {  	_ =	shalt  }
0x6b: {  	_ =	shalt  }
0x6c: {  	_ =	shalt  }
0x6d: {  	_ =	shalt  }
0x6e: {  	_ =	shalt  }
0x6f: {  	_ =	shalt  }
0x70: {  	_ =	shalt  }
0x71: {  	_ =	shalt  }
0x72: {  	_ =	shalt  }
0x73: {  	_ =	shalt  }
0x74: {  	_ =	shalt  }
0x75: {  	_ =	shalt  }
0x76: {  	_ =	shalt  }
0x77: {  	_ =	shalt  }
0x78: {  	_ =	shalt  }
0x79: {  	_ =	shalt  }
0x7a: {  	_ =	shalt  }
0x7b: {  	_ =	shalt  }
0x7c: {  	_ =	shalt  }
0x7d: {  	_ =	shalt  }
0x7e: {  	_ =	shalt  }
0x7f: {  	_ =	shalt  }
0x80: {  	_ =	shalt  }
0x81: {  	_ =	shalt  }
0x82: {  	_ =	shalt  }
0x83: {  	_ =	shalt  }
0x84: {  	_ =	shalt  }
0x85: {  	_ =	shalt  }
0x86: {  	_ =	shalt  }
0x87: {  	_ =	shalt  }
.Lfunc_end0:
.L_simem_size_0:
called_computation.1_lowered:
.L_overlay_start_0:
0x88: {  	s2 =	sld [smem:$0x3FD9]  }
0x89: {  	s3 =	sld [smem:$0x3FFE];
	_ =	sdelay $0x1  }
0x8a: {  	s1 =	srdreg.scid  }
0x8b: {  	s0 =	sand.u32 $0x1, s1  }
0x8c: {  	s17 =	sshll.u32 s0, $0xA;
	s2 =	sadd.s32 s3, s2  }
0x8d: {  	s2 =	sadd.s32 s2, s17  }
0x8e: {  	[smem:$0x3FC5] =	sst s2  }
0x8f: {  	_ = 	snop  }
0x90: {  	s2 =	sld [smem:$0x3FD0];
	(tm) =	ssettm $0x1  }
0x91: {  	s18 =	sld [smem:$0x3FFB];
	_ =	sdelay $0x3  }
0x92: {  	_ =	strace s18  }
0x93: {  	s3 =	sld [smem:$0x3FFC];
	_ =	sdelay $0x3  }
0x94: {  	_ =	strace s3  }
0x95: {  	s3 =	sld [smem:$0x3FFD];
	_ =	sdelay $0x3  }
0x96: {  	_ =	strace s3  }
0x97: {  	_ =	strace $0x8FFFFFFF  }
0x98: {  	s19 =	sld [smem:$0x3FDB];
	_ =	sdelay $0x1  }
0x99: {  	s4 =	simm.s32 $_scs_section_size  }
0x9a: {  	s5 =	simm.s32 $_size__tile_overlayer_lowered;
	s6 =	simm.s32 $_tile_overlayer_lowered  }
0x9b: {  	s22 =	simm.s32 $0x1BFF;
	s21 =	sshll.u32 s6, $0x1;
	s3 =	sadd.s32 s4, s19  }
0x9c: {  	s7 =	simm.s32 $0x0;
	s20 =	sshll.u32 s5, $0x1;
	s5 =	sadd.s32 s21, s3  }
0x9d: {  	[timem:s7], [sflag:s22] =	dma.local [hbm:s5], s20  }
0x9e: {  	_ =	swait.ge [sflag:s22], s20  }
0x9f: {  	s4 =	ssub.s32 $0x0, s20;
	[sflag:s22] =	ssyncset.done $0x0  }
0xa0: {  	[sflag:s22] =	ssyncadd.s32 s4;
	_ =	sdelay $0x1  }
0xa1: {  	s23 =	simm.s32 $0x1B8B  }
0xa2: {  	_ =	swait.ge [sflag:s23], $0x1  }
0xa3: {  	[sflag:s23] =	ssyncset.done $0x0  }
0xa4: {  	s25 =	simm.s32 $0x1B8E;
	s24 =	sld [smem:$0x3FFE];
	[sflag:s23] =	ssyncadd.s32 $0xFFFFFFFF  }
0xa5: {  	s26 =	simm.s32 $execute0_lowered;
	[smem:$0x3FD2] =	sst s25  }
0xa6: {  	s5 =	sshll.u32 s26, $0x1;
	_ =	strace $0x80000046;
	[dreg:$0x1] =	wrdreg $0xFFFFFFFF  }
0xa7: {  	s28 =	simm.s32 $_size_execute0_lowered;
	s3 =	sadd.s32 s3, s5;
	[dreg:$0x0] =	wrdreg $0x0  }
0xa8: {  	s5 =	sshll.u32 s28, $0x1;
	[dreg:$0x2] =	wrdreg s3  }
0xa9: {  	[dreg:$0x3] =	wrdreg s5  }
0xaa: {  	[dreg:$0x4] =	wrdreg $0xC0  }
0xab: {  	_ =	task [dreg:s7], $0x5FFFF  }
0xac: {  	[dreg:$0x1] =	wrdreg $0xFFFFFFFF  }
0xad: {  	[dreg:$0x0] =	wrdreg $0x60  }
0xae: {  	[dreg:$0x2] =	wrdreg s24  }
0xaf: {  	[dreg:$0x3] =	wrdreg s2  }
0xb0: {  	[dreg:$0x4] =	wrdreg $0x9  }
0xb1: {  	_ =	task.clear_ibuf [dreg:s7], $0x5FFFF;
	_ =	strace $0x90000046  }
0xb2: {  	s29 =	simm.s32 $0x9;
	_ =	strace $0x80000048  }
0xb3: {  	_ =	swait.ge [sflag:s29], $0x1  }
0xb4: {  	[sflag:s29] =	ssyncadd.s32 $0xFFFFFFFF  }
0xb5: {  	_ =	strace $0x90000048  }
0xb6: {  	_ =	sfence  }
0xb7: {  	s30 =	sld [smem:$0x0];
	_ =	sdelay $0x2  }
0xb8: {  	s31 =	sshll.u32 s1, $0xD;
	s1 =	sshrl.u32 s1, $0x2  }
0xb9: {  	s3 =	sand.u32 $0x4000, s31;
	s1 =	sadd.s32 s1, s30  }
0xba: {  	s0 =	sor.u32 s3, s0;
	s1 =	sshll.u32 s1, $0x11  }
0xbb: {  	s0 =	sor.u32 s1, s0  }
0xbc: {  	s0 =	sadd.s32 $0x8F2B, s0  }
0xbd: {  	[sflag:s0] =	ssyncadd.remote.s32 $0x1  }
0xbe: {  	_ =	sfence.sel $0xFFFF  }
0xbf: {  	[dreg:$0x0] =	wrdreg $0xFFFFFFFF;
	(pc) =	sbr.abs _section_cstart, $3  }
0xc0: {  	[dreg:$0x1] =	wrdreg $0xFFFFFFFF  }
0xc1: {  	_ =	task.clear_ibuf [dreg:s7], $0x2FFFF;
	_ =	strace $0x9FFFFFFF  }
0xc2: {  	(tm) =	ssettm $0x7FFFFFFF  }
0xc3: {  	_ =	shalt  }
tec
execute0_lowered:
.L_overlay_start_1:
0x0: {  	(tag) =	ssettag $0x1  }
0x1: {  	s1 =	srdreg.scid;
	s5 =	rddreg [dreg:$0x0]  }
0x2: {  	s0 =	stileid.u32;
	s2 =	rddreg [dreg:$0x1];
	s3 =	simm.s32 $0x0  }
0x3: {  	s12 =	simm.s32 $0x4F00;
	s13 =	simm.s32 $0x6A00;
	s14 =	simm.s32 $0x80  }
0x4: {  	s15 =	simm.s32 $0x8500;
	s16 =	simm.s32 $0xA500;
	s17 =	simm.s32 $0xC500  }
0x5: {  	s18 =	simm.s32 $0xE500;
	s19 =	simm.s32 $0x1;
	s20 =	simm.s32 $0x2  }
0x6: {  	s21 =	simm.s32 $0x0;
	s6 =	sand.u32 $0x1, s1;
	s31 =	sshll.u32 s0, $0x1  }
0x7: {  	s1 =	rddreg [dreg:$0x2];
	s9 =	smul.u32 $0x3200, s0;
	s4 =	sor.u32 s6, s31  }
0x8: {  	[smem:$0x7FF] =	sst s3;
	s8 =	ssub.s32 $0x2, s6;
	s4 =	smul.u32 $0x1900, s4  }
.Ltmp0:
0x9: {  	_ =	strace $0x80000047;
	s10 =	sshrl.u32 s8, $0x1;
	(pc) =	sbr.rel .LBB2_1-.Ltmp0, $4  }
0xa: {  	s11 =	smul.u32 $0x1900, s6;
	s8 =	ssub.s32 s8, s10;
	s4 =	sshrl.u32 s4, $0x3  }
0xb: {  	s10 =	simm.s32 $0x1900;
	s7 =	sadd.s32 s4, s5;
	s4 =	sadd.s32 $0xB72600, s5  }
0xc: {  	s5 =	sadd.s32 $0x7A1C00, s5;
	s6 =	sadd.s32 $0xA00, s7;
	s7 =	smax.u32 s8, $0x1  }
0xd: {  	v0 =	vlaneseq.u32;
	v1 =	vimm.s32 $0x0;
	s8 =	sadd.s32 s11, s9;
	s9 =	simm.s32 $0x3;
	s11 =	simm.s32 $0x3400  }
.LBB2_12:
0xe: {  	s23 =	sadd.s32 $0x4F00, s22;
	[sflag:s20] =	ssyncadd.s32 @p0 $0xFFFFE000  }
0xf: {  	[tilespmem:s15], [sflag:$0x1] =	stream.indirect.gather [hbm4b:s5+s14], $0x40, s23, s14, $0xb8;
	[tilespmem:$0x10500] =	vst v63  }
0x10: {  	s24 =	sadd.s32 $0x4F80, s22  }
0x11: {  	[tilespmem:s16], [sflag:$0x1] =	stream.indirect.gather [hbm4b:s5+s14], $0x40, s24, s14, $0xb8;
	[tilespmem:$0x10500] =	vst v63  }
0x12: {  	s25 =	sadd.s32 $0x5000, s22  }
0x13: {  	[tilespmem:s17], [sflag:$0x1] =	stream.indirect.gather [hbm4b:s5+s14], $0x40, s25, s14, $0xb8;
	[tilespmem:$0x10500] =	vst v63  }
0x14: {  	s26 =	sadd.s32 $0x5080, s22  }
0x15: {  	[tilespmem:s18], [sflag:$0x1] =	stream.indirect.gather [hbm4b:s5+s14], $0x40, s26, s14, $0xb8;
	[tilespmem:$0x10500] =	vst v63  }
0x16: {  	_ =	swait.ge [sflag:s19], $0x2000  }
0x17: {  	[sflag:s19] =	ssyncset.done $0x0  }
0x18: {  	[sflag:s19] =	ssyncadd.s32 $0xFFFFE000  }
0x19: {  	_ =	swait.ge [sflag:s19], $0x2000  }
0x1a: {  	[sflag:s19] =	ssyncset.done $0x0  }
0x1b: {  	[sflag:s19] =	ssyncadd.s32 $0xFFFFE000  }
0x1c: {  	_ =	swait.ge [sflag:s19], $0x2000  }
0x1d: {  	[sflag:s19] =	ssyncset.done $0x0  }
0x1e: {  	[sflag:s19] =	ssyncadd.s32 $0xFFFFE000  }
0x1f: {  	_ =	swait.ge [sflag:s19], $0x2000  }
0x20: {  	[sflag:s19] =	ssyncset.done $0x0  }
0x21: {  	s28 =	sadd.s32 $0x6A00, s22;
	[sflag:s19] =	ssyncadd.s32 $0xFFFFE000  }
0x22: {  	[hbm4b:s2+s14] =	stream.indirect.scatter [tilespmem:s15], [sflag:$0x2], $0x40, s28, s14, $0xb8;
	[tilespmem:$0x10500] =	vst v63  }
0x23: {  	s29 =	sadd.s32 $0x6A80, s22  }
0x24: {  	[hbm4b:s2+s14] =	stream.indirect.scatter [tilespmem:s16], [sflag:$0x2], $0x40, s29, s14, $0xb8;
	[tilespmem:$0x10500] =	vst v63  }
0x25: {  	s30 =	sadd.s32 $0x6B00, s22  }
0x26: {  	[hbm4b:s2+s14] =	stream.indirect.scatter [tilespmem:s17], [sflag:$0x2], $0x40, s30, s14, $0xb8;
	[tilespmem:$0x10500] =	vst v63  }
0x27: {  	s31 =	sadd.s32 $0x6B80, s22  }
0x28: {  	[hbm4b:s2+s14] =	stream.indirect.scatter [tilespmem:s18], [sflag:$0x2], $0x40, s31, s14, $0xb8;
	[tilespmem:$0x10500] =	vst v63  }
0x29: {  	_ =	swait.ge [sflag:s20], $0x2000  }
0x2a: {  	[sflag:s20] =	ssyncset.done $0x0  }
0x2b: {  	[sflag:s20] =	ssyncadd.s32 $0xFFFFE000  }
0x2c: {  	_ =	swait.ge [sflag:s20], $0x2000  }
0x2d: {  	[sflag:s20] =	ssyncset.done $0x0  }
0x2e: {  	[sflag:s20] =	ssyncadd.s32 $0xFFFFE000  }
0x2f: {  	_ =	swait.ge [sflag:s20], $0x2000  }
0x30: {  	[sflag:s20] =	ssyncset.done $0x0  }
0x31: {  	[sflag:s20] =	ssyncadd.s32 $0xFFFFE000  }
0x32: {  	_ =	swait.ge [sflag:s20], $0x2000  }
0x33: {  	[sflag:s20] =	ssyncset.done $0x0  }
0x34: {  	[sflag:s20] =	ssyncadd.s32 $0xFFFFE000  }
.LBB2_13:
0x35: {  	s21 =	sadd.s32 $0x1, s21  }
0x36: {  	p0 =	sne.s32 s21, s7  }
.Ltmp1:
0x37: {  	_ = 	snop;
	(pc) =	sbr.rel @!p0 .LBB2_14-.Ltmp1, $1  }
0x38: {  	_ =	sdelay $0x3  }
.LBB2_1:
0x39: {  	[tilespmem:s3], [sflag:$0x3] =	stream.linear.gather [hbm4b:s6+s3], $0x1900, $0x38;
	[tilespmem:$0x10500] =	vst v63  }
0x3a: {  	_ =	swait.ge [sflag:s9], $0x1900  }
0x3b: {  	[sflag:s9] =	ssyncset.done $0x0  }
0x3c: {  	s22 =	simm.s32 $0x0;
	[sflag:s9] =	ssyncadd.s32 $0xFFFFE700  }
0x3d: {  	v2 =	vld [tilespmem:s22+$0x0];
	_ =	sdelay $0x4  }
0x3e: {  	vm0 =	vlt.s32 v2, $0x7A120  }
0x3f: {  	v3 =	vsel vm0, $0x1, v1  }
0x40: {  	vm1 =	vge.s32 v2, $0x7A120;
	(xrf0) =	vadd.scan.msk.s32 $0xffff, v3  }
0x41: {  	v3 =	vsel vm1, $0x1, v1  }
0x42: {  	(xrf0) =	vadd.scan.msk.s32 $0xffff, v3;
	_ =	sdelay $0x2  }
0x43: {  	v3 =	vsel vm0, $0xFFFFFFFF, v1  }
0x44: {  	v3 =	vadd.s32 v3, v1;
	v4, _, _ =	vpop (xrf0)  }
0x45: {  	v3 =	vadd.s32 v4, v3;
	v4 =	vsel vm1, $0xFFFFFFFF, v1  }
0x46: {  	v5, _, _ =	vpop (xrf0);
	v4 =	vadd.s32 v4, v1  }
0x47: {  	v4 =	vadd.s32 v5, v4;
	_ =	sdelay $0x2  }
0x48: {  	v5 =	vor.u32 s8, v0;
	[tilespmem:v3+s10+$0x0] =	vst.idx.msk vm0, v2  }
0x49: {  	v2 =	vadd.s32 $0xFFF85EE0, v2;
	[tilespmem:v3+s11+$0x0] =	vst.idx.msk vm0, v5  }
0x4a: {  	[tilespmem:v4+s12+$0x0] =	vst.idx.msk vm1, v2  }
0x4b: {  	s31 =	simm.s32 $0x10;
	v6 =	vmpcnt.ones.xlane vm0;
	v7 =	vmpcnt.ones.xlane vm1;
	[tilespmem:v4+s13+$0x0] =	vst.idx.msk vm1, v5  }
0x4c: {  	v3 =	vld [tilespmem:s31+$0x0]  }
0x4d: {  	v6 =	vadd.s32 v1, v6;
	v2 =	vadd.s32 v1, v7  }
0x4e: {  	s23 =	simm.s32 $0x80;
	s22 =	smov.u32 s8;
	v5 =	vmov v6;
	v4 =	vmov v2  }
.LBB2_2:
0x4f: {  	p0 =	sne.s32 s23, $0x63C0;
	_ =	sdelay $0x1  }
0x50: {  	vm1 =	vlt.s32 v3, $0x7A120  }
0x51: {  	v7 =	vsel vm1, $0x1, v1;
	v8 =	vmpcnt.ones.xlane vm1  }
0x52: {  	vm0 =	vge.s32 v3, $0x7A120;
	(xrf0) =	vadd.scan.msk.s32 $0xffff, v7  }
0x53: {  	v7 =	vsel vm0, $0x1, v1;
	v6 =	vadd.s32 v6, v8;
	v8 =	vmpcnt.ones.xlane vm0  }
0x54: {  	(xrf0) =	vadd.scan.msk.s32 $0xffff, v7  }
0x55: {  	v2 =	vadd.s32 v2, v8;
	_ =	sdelay $0x1  }
0x56: {  	v7 =	vsel vm1, $0xFFFFFFFF, v1  }
0x57: {  	v7 =	vadd.s32 v7, v5;
	v5 =	vmov v6;
	v8, _, _ =	vpop (xrf0)  }
0x58: {  	v7 =	vadd.s32 v8, v7;
	v8 =	vsel vm0, $0xFFFFFFFF, v1  }
0x59: {  	v8 =	vadd.s32 v8, v4;
	v9, _, _ =	vpop (xrf0);
	v4 =	vmov v2  }
0x5a: {  	v8 =	vadd.s32 v9, v8;
	_ =	sdelay $0x1  }
0x5b: {  	s22 =	sadd.s32 $0x10, s22  }
0x5c: {  	v9 =	vor.u32 s22, v0;
	[tilespmem:v7+s10+$0x0] =	vst.idx.msk vm1, v3  }
0x5d: {  	v3 =	vadd.s32 $0xFFF85EE0, v3;
	[tilespmem:v7+s11+$0x0] =	vst.idx.msk vm1, v9  }
.Ltmp2:
0x5e: {  	[tilespmem:v8+s12+$0x0] =	vst.idx.msk vm0, v3;
	(pc) =	sbr.rel @p0 .LBB2_2-.Ltmp2, $3  }
0x5f: {  	s24 =	sshra.s32 s23, $0x2;
	[tilespmem:v8+s13+$0x0] =	vst.idx.msk vm0, v9  }
0x60: {  	v3 =	vld [tilespmem:s24+$0x0];
	_ =	sdelay $0x1  }
0x61: {  	s23 =	sadd.s32 $0x40, s23  }
0x62: {  	_ =	sdelay $0x1  }
0x63: {  	vm1 =	vlt.s32 v3, $0x7A120  }
0x64: {  	v7 =	vmpcnt.ones.xlane vm1;
	_ =	sdelay $0x1  }
0x65: {  	v6 =	vadd.s32 v6, v7  }
0x66: {  	(v2sf) =	vpush v6, $0x0;
	_ =	sdelay $0x1  }
0x67: {  	v25 =	vsel vm1, $0x1, v1  }
0x68: {  	vm0 =	vge.s32 v3, $0x7A120;
	(xrf0) =	vadd.scan.msk.s32 $0xffff, v25  }
0x69: {  	v26 =	vsel vm0, $0x1, v1  }
0x6a: {  	(xrf0) =	vadd.scan.msk.s32 $0xffff, v26;
	_ =	sdelay $0x2  }
0x6b: {  	v27 =	vsel vm1, $0xFFFFFFFF, v1  }
0x6c: {  	v5 =	vadd.s32 v27, v5;
	v28, _, _ =	vpop (xrf0)  }
0x6d: {  	v29 =	vsel vm0, $0xFFFFFFFF, v1;
	v5 =	vadd.s32 v28, v5  }
0x6e: {  	v4 =	vadd.s32 v29, v4;
	v30, _, _ =	vpop (xrf0)  }
0x6f: {  	v4 =	vadd.s32 v30, v4;
	_ =	sdelay $0x1  }
0x70: {  	s22 =	sadd.s32 $0x10, s22  }
0x71: {  	v31 =	vor.u32 s22, v0;
	v6 =	vbroadcast v6, $0x0;
	[tilespmem:v5+s10+$0x0] =	vst.idx.msk vm1, v3;
	s23 =	spop (v2sf)  }
0x72: {  	v3 =	vadd.s32 $0xFFF85EE0, v3;
	[tilespmem:v5+s11+$0x0] =	vst.idx.msk vm1, v31;
	s22 =	sadd.s32 $0x1FF, s23  }
0x73: {  	v32 =	vadd.s32 v0, v6;
	[tilespmem:v4+s12+$0x0] =	vst.idx.msk vm0, v3;
	s24 =	sand.u32 $0xFFFFFE00, s22  }
0x74: {  	[tilespmem:v4+s13+$0x0] =	vst.idx.msk vm0, v31;
	s25 =	sadd.s32 $0x10, s23;
	vm11 =	vlt.s32 v32, s24  }
0x75: {  	v4 =	vld.msk [tilespmem:s10+$0x0], $0xffff;
	v33 =	vadd.s32 s25, v0  }
0x76: {  	v3 =	vld.msk [tilespmem:s11+$0x0], $0xffff;
	s28 =	sadd.s32 $0x20, s23;
	vm2 =	vlt.s32 v33, s24  }
0x77: {  	v34 =	vadd.s32 s28, v0  }
0x78: {  	s29 =	sadd.s32 $0x30, s23;
	vm3 =	vlt.s32 v34, s24  }
0x79: {  	v8 =	vadd.s32 s29, v0  }
0x7a: {  	s30 =	sadd.s32 $0x40, s23;
	vm4 =	vlt.s32 v8, s24;
	[tilespmem:v32+s10+$0x0] =	vst.idx.msk vm11, v4  }
0x7b: {  	v35 =	vadd.s32 s30, v0;
	[tilespmem:v32+s11+$0x0] =	vst.idx.msk vm11, v3  }
0x7c: {  	s31 =	sadd.s32 $0x50, s23;
	vm12 =	vlt.s32 v35, s24;
	[tilespmem:v33+s10+$0x0] =	vst.idx.msk vm2, v4  }
0x7d: {  	v36 =	vadd.s32 s31, v0;
	[tilespmem:v33+s11+$0x0] =	vst.idx.msk vm2, v3  }
0x7e: {  	s26 =	sadd.s32 $0x60, s23;
	vm13 =	vlt.s32 v36, s24;
	[tilespmem:v34+s10+$0x0] =	vst.idx.msk vm3, v4  }
0x7f: {  	v37 =	vadd.s32 s26, v0;
	[tilespmem:v34+s11+$0x0] =	vst.idx.msk vm3, v3  }
0x80: {  	s28 =	sadd.s32 $0x70, s23;
	vm14 =	vlt.s32 v37, s24;
	[tilespmem:v8+s10+$0x0] =	vst.idx.msk vm4, v4  }
0x81: {  	v38 =	vadd.s32 s28, v0;
	[tilespmem:v8+s11+$0x0] =	vst.idx.msk vm4, v3  }
0x82: {  	s29 =	sadd.s32 $0x80, s23;
	vm15 =	vlt.s32 v38, s24;
	[tilespmem:v35+s10+$0x0] =	vst.idx.msk vm12, v4  }
0x83: {  	v39 =	vadd.s32 s29, v0;
	[tilespmem:v35+s11+$0x0] =	vst.idx.msk vm12, v3  }
0x84: {  	s30 =	sadd.s32 $0x90, s23;
	vm8 =	vlt.s32 v39, s24;
	[tilespmem:v36+s10+$0x0] =	vst.idx.msk vm13, v4  }
0x85: {  	v40 =	vadd.s32 s30, v0;
	[tilespmem:v36+s11+$0x0] =	vst.idx.msk vm13, v3  }
0x86: {  	s31 =	sadd.s32 $0xA0, s23;
	vm9 =	vlt.s32 v40, s24;
	[tilespmem:v37+s10+$0x0] =	vst.idx.msk vm14, v4  }
0x87: {  	v41 =	vadd.s32 s31, v0;
	[tilespmem:v37+s11+$0x0] =	vst.idx.msk vm14, v3  }
0x88: {  	s26 =	sadd.s32 $0xB0, s23;
	vm10 =	vlt.s32 v41, s24;
	[tilespmem:v38+s10+$0x0] =	vst.idx.msk vm15, v4  }
0x89: {  	v42 =	vadd.s32 s26, v0;
	[tilespmem:v38+s11+$0x0] =	vst.idx.msk vm15, v3  }
0x8a: {  	s28 =	sadd.s32 $0xC0, s23;
	vm11 =	vlt.s32 v42, s24;
	[tilespmem:v39+s10+$0x0] =	vst.idx.msk vm8, v4  }
0x8b: {  	v43 =	vadd.s32 s28, v0;
	[tilespmem:v39+s11+$0x0] =	vst.idx.msk vm8, v3  }
0x8c: {  	s29 =	sadd.s32 $0xD0, s23;
	vm12 =	vlt.s32 v43, s24;
	[tilespmem:v40+s10+$0x0] =	vst.idx.msk vm9, v4  }
0x8d: {  	v44 =	vadd.s32 s29, v0;
	[tilespmem:v40+s11+$0x0] =	vst.idx.msk vm9, v3  }
0x8e: {  	s30 =	sadd.s32 $0xE0, s23;
	vm13 =	vlt.s32 v44, s24;
	[tilespmem:v41+s10+$0x0] =	vst.idx.msk vm10, v4  }
0x8f: {  	v45 =	vadd.s32 s30, v0;
	[tilespmem:v41+s11+$0x0] =	vst.idx.msk vm10, v3  }
0x90: {  	s31 =	sadd.s32 $0xF0, s23;
	vm14 =	vlt.s32 v45, s24;
	[tilespmem:v42+s10+$0x0] =	vst.idx.msk vm11, v4  }
0x91: {  	v46 =	vadd.s32 s31, v0;
	[tilespmem:v42+s11+$0x0] =	vst.idx.msk vm11, v3  }
0x92: {  	s26 =	sadd.s32 $0x100, s23;
	vm15 =	vlt.s32 v46, s24;
	[tilespmem:v43+s10+$0x0] =	vst.idx.msk vm12, v4  }
0x93: {  	v47 =	vadd.s32 s26, v0;
	[tilespmem:v43+s11+$0x0] =	vst.idx.msk vm12, v3  }
0x94: {  	s28 =	sadd.s32 $0x110, s23;
	vm8 =	vlt.s32 v47, s24;
	[tilespmem:v44+s10+$0x0] =	vst.idx.msk vm13, v4  }
0x95: {  	v48 =	vadd.s32 s28, v0;
	[tilespmem:v44+s11+$0x0] =	vst.idx.msk vm13, v3  }
0x96: {  	s29 =	sadd.s32 $0x120, s23;
	vm9 =	vlt.s32 v48, s24;
	[tilespmem:v45+s10+$0x0] =	vst.idx.msk vm14, v4  }
0x97: {  	v49 =	vadd.s32 s29, v0;
	[tilespmem:v45+s11+$0x0] =	vst.idx.msk vm14, v3  }
0x98: {  	s30 =	sadd.s32 $0x130, s23;
	vm10 =	vlt.s32 v49, s24;
	[tilespmem:v46+s10+$0x0] =	vst.idx.msk vm15, v4  }
0x99: {  	v50 =	vadd.s32 s30, v0;
	[tilespmem:v46+s11+$0x0] =	vst.idx.msk vm15, v3  }
0x9a: {  	s31 =	sadd.s32 $0x140, s23;
	vm11 =	vlt.s32 v50, s24;
	[tilespmem:v47+s10+$0x0] =	vst.idx.msk vm8, v4  }
0x9b: {  	v51 =	vadd.s32 s31, v0;
	[tilespmem:v47+s11+$0x0] =	vst.idx.msk vm8, v3  }
0x9c: {  	s26 =	sadd.s32 $0x150, s23;
	vm12 =	vlt.s32 v51, s24;
	[tilespmem:v48+s10+$0x0] =	vst.idx.msk vm9, v4  }
0x9d: {  	v52 =	vadd.s32 s26, v0;
	[tilespmem:v48+s11+$0x0] =	vst.idx.msk vm9, v3  }
0x9e: {  	s28 =	sadd.s32 $0x160, s23;
	vm13 =	vlt.s32 v52, s24;
	[tilespmem:v49+s10+$0x0] =	vst.idx.msk vm10, v4  }
0x9f: {  	v53 =	vadd.s32 s28, v0;
	[tilespmem:v49+s11+$0x0] =	vst.idx.msk vm10, v3  }
0xa0: {  	s29 =	sadd.s32 $0x170, s23;
	vm14 =	vlt.s32 v53, s24;
	[tilespmem:v50+s10+$0x0] =	vst.idx.msk vm11, v4  }
0xa1: {  	v54 =	vadd.s32 s29, v0;
	[tilespmem:v50+s11+$0x0] =	vst.idx.msk vm11, v3  }
0xa2: {  	s30 =	sadd.s32 $0x180, s23;
	vm15 =	vlt.s32 v54, s24;
	[tilespmem:v51+s10+$0x0] =	vst.idx.msk vm12, v4  }
0xa3: {  	v55 =	vadd.s32 s30, v0;
	[tilespmem:v51+s11+$0x0] =	vst.idx.msk vm12, v3  }
0xa4: {  	s31 =	sadd.s32 $0x190, s23;
	vm8 =	vlt.s32 v55, s24;
	[tilespmem:v52+s10+$0x0] =	vst.idx.msk vm13, v4  }
0xa5: {  	v56 =	vadd.s32 s31, v0;
	[tilespmem:v52+s11+$0x0] =	vst.idx.msk vm13, v3  }
0xa6: {  	s26 =	sadd.s32 $0x1A0, s23;
	vm9 =	vlt.s32 v56, s24;
	[tilespmem:v53+s10+$0x0] =	vst.idx.msk vm14, v4  }
0xa7: {  	v57 =	vadd.s32 s26, v0;
	[tilespmem:v53+s11+$0x0] =	vst.idx.msk vm14, v3  }
0xa8: {  	s28 =	sadd.s32 $0x1B0, s23;
	vm10 =	vlt.s32 v57, s24;
	[tilespmem:v54+s10+$0x0] =	vst.idx.msk vm15, v4  }
0xa9: {  	v58 =	vadd.s32 s28, v0;
	[tilespmem:v54+s11+$0x0] =	vst.idx.msk vm15, v3  }
0xaa: {  	s29 =	sadd.s32 $0x1C0, s23;
	vm11 =	vlt.s32 v58, s24;
	[tilespmem:v55+s10+$0x0] =	vst.idx.msk vm8, v4  }
0xab: {  	v59 =	vadd.s32 s29, v0;
	[tilespmem:v55+s11+$0x0] =	vst.idx.msk vm8, v3  }
0xac: {  	s30 =	sadd.s32 $0x1D0, s23;
	vm12 =	vlt.s32 v59, s24;
	[tilespmem:v56+s10+$0x0] =	vst.idx.msk vm9, v4  }
0xad: {  	v60 =	vadd.s32 s30, v0;
	[tilespmem:v56+s11+$0x0] =	vst.idx.msk vm9, v3  }
0xae: {  	s31 =	sadd.s32 $0x1E0, s23;
	vm13 =	vlt.s32 v60, s24;
	[tilespmem:v57+s10+$0x0] =	vst.idx.msk vm10, v4  }
0xaf: {  	v61 =	vadd.s32 s31, v0;
	[tilespmem:v57+s11+$0x0] =	vst.idx.msk vm10, v3  }
0xb0: {  	s23 =	sadd.s32 $0x1F0, s23;
	vm14 =	vlt.s32 v61, s24;
	[tilespmem:v58+s10+$0x0] =	vst.idx.msk vm11, v4  }
0xb1: {  	v62 =	vadd.s32 s23, v0;
	[tilespmem:v58+s11+$0x0] =	vst.idx.msk vm11, v3  }
0xb2: {  	vm15 =	vlt.s32 v62, s24;
	[tilespmem:v59+s10+$0x0] =	vst.idx.msk vm12, v4  }
0xb3: {  	s22 =	sshra.s32 s22, $0x9;
	[tilespmem:v59+s11+$0x0] =	vst.idx.msk vm12, v3  }
0xb4: {  	p0 =	slt.s32 s22, $0x1;
	[tilespmem:v60+s10+$0x0] =	vst.idx.msk vm13, v4  }
.Ltmp3:
0xb5: {  	[tilespmem:v60+s11+$0x0] =	vst.idx.msk vm13, v3;
	(pc) =	sbr.rel @p0 .LBB2_8-.Ltmp3, $4  }
0xb6: {  	[tilespmem:v61+s10+$0x0] =	vst.idx.msk vm14, v4  }
0xb7: {  	v63 =	vmpcnt.ones.xlane vm0;
	[tilespmem:v61+s11+$0x0] =	vst.idx.msk vm14, v3  }
0xb8: {  	[tilespmem:v62+s10+$0x0] =	vst.idx.msk vm15, v4  }
0xb9: {  	v2 =	vadd.s32 v2, v63;
	s24 =	simm.s32 $0x0;
	[tilespmem:v62+s11+$0x0] =	vst.idx.msk vm15, v3  }
0xba: {  	p1 =	sne.s32 s22, $0x1  }
.Ltmp4:
0xbb: {  	_ = 	snop;
	(pc) =	sbr.rel @!p1 .LBB2_7-.Ltmp4, $2  }
0xbc: {  	_ =	sdelay $0x2  }
0xbd: {  	s23 =	sadd.s32 $0xFFFFFFFF, s22;
	s22 =	sshra.s32 s24, $0x2;
	p0 =	por $0x0, $0x0  }
0xbe: {  	s25 =	sadd.s32 $0x1900, s22  }
0xbf: {  	[tilespmem:s15], [sflag:$0x1] =	stream.indirect.gather [hbm4b:s4+s14], $0x40, s25, s14, $0xb8;
	[tilespmem:$0x10500] =	vst v63  }
0xc0: {  	s30 =	sadd.s32 $0x1980, s22  }
0xc1: {  	[tilespmem:s16], [sflag:$0x1] =	stream.indirect.gather [hbm4b:s4+s14], $0x40, s30, s14, $0xb8;
	[tilespmem:$0x10500] =	vst v63  }
0xc2: {  	s31 =	sadd.s32 $0x1A00, s22  }
0xc3: {  	[tilespmem:s17], [sflag:$0x1] =	stream.indirect.gather [hbm4b:s4+s14], $0x40, s31, s14, $0xb8;
	[tilespmem:$0x10500] =	vst v63  }
0xc4: {  	s26 =	sadd.s32 $0x1A80, s22  }
0xc5: {  	[tilespmem:s18], [sflag:$0x1] =	stream.indirect.gather [hbm4b:s4+s14], $0x40, s26, s14, $0xb8;
	[tilespmem:$0x10500] =	vst v63  }
0xc6: {  	_ =	swait.ge [sflag:s19], $0x2000  }
0xc7: {  	[sflag:s19] =	ssyncset.done $0x0  }
0xc8: {  	[sflag:s19] =	ssyncadd.s32 $0xFFFFE000  }
0xc9: {  	_ =	swait.ge [sflag:s19], $0x2000  }
0xca: {  	[sflag:s19] =	ssyncset.done $0x0  }
0xcb: {  	[sflag:s19] =	ssyncadd.s32 $0xFFFFE000  }
0xcc: {  	_ =	swait.ge [sflag:s19], $0x2000  }
0xcd: {  	[sflag:s19] =	ssyncset.done $0x0  }
0xce: {  	[sflag:s19] =	ssyncadd.s32 $0xFFFFE000  }
0xcf: {  	_ =	swait.ge [sflag:s19], $0x2000  }
0xd0: {  	[sflag:s19] =	ssyncset.done $0x0  }
0xd1: {  	s28 =	sadd.s32 $0x3400, s22;
	[sflag:s19] =	ssyncadd.s32 $0xFFFFE000  }
0xd2: {  	[hbm4b:s2+s14] =	stream.indirect.scatter [tilespmem:s15], [sflag:$0x2], $0x40, s28, s14, $0xb8;
	[tilespmem:$0x10500] =	vst v63  }
0xd3: {  	s29 =	sadd.s32 $0x3480, s22  }
0xd4: {  	[hbm4b:s2+s14] =	stream.indirect.scatter [tilespmem:s16], [sflag:$0x2], $0x40, s29, s14, $0xb8;
	[tilespmem:$0x10500] =	vst v63  }
0xd5: {  	s30 =	sadd.s32 $0x3500, s22  }
0xd6: {  	[hbm4b:s2+s14] =	stream.indirect.scatter [tilespmem:s17], [sflag:$0x2], $0x40, s30, s14, $0xb8;
	[tilespmem:$0x10500] =	vst v63  }
0xd7: {  	s31 =	sadd.s32 $0x3580, s22  }
0xd8: {  	[hbm4b:s2+s14] =	stream.indirect.scatter [tilespmem:s18], [sflag:$0x2], $0x40, s31, s14, $0xb8;
	[tilespmem:$0x10500] =	vst v63  }
0xd9: {  	_ =	swait.ge [sflag:s20], $0x2000  }
0xda: {  	[sflag:s20] =	ssyncset.done $0x0  }
0xdb: {  	[sflag:s20] =	ssyncadd.s32 $0xFFFFE000  }
0xdc: {  	_ =	swait.ge [sflag:s20], $0x2000  }
0xdd: {  	[sflag:s20] =	ssyncset.done $0x0  }
0xde: {  	p1 =	sne.s32 s23, $0x1;
	[sflag:s20] =	ssyncadd.s32 $0xFFFFE000  }
.Ltmp5:
0xdf: {  	_ =	swait.ge [sflag:s20], $0x2000;
	(pc) =	sbr.rel @!p1 .LBB2_7-.Ltmp5, $4  }
0xe0: {  	[sflag:s20] =	ssyncset.done $0x0  }
0xe1: {  	[sflag:s20] =	ssyncadd.s32 $0xFFFFE000  }
0xe2: {  	s23 =	sadd.s32 $0xFFFFFFFF, s23;
	s24 =	sadd.s32 $0x800, s24;
	_ =	swait.ge [sflag:s20], $0x2000  }
0xe3: {  	p0 =	por $0x1, $0x1;
	s22 =	sshra.s32 s24, $0x2;
	[sflag:s20] =	ssyncset.done $0x0  }
.LBB2_6:
0xe4: {  	p1 =	sne.s32 s23, $0x1;
	s25 =	sadd.s32 $0x1900, s22;
	[sflag:s20] =	ssyncadd.s32 $0xFFFFE000  }
0xe5: {  	[tilespmem:s15], [sflag:$0x1] =	stream.indirect.gather [hbm4b:s4+s14], $0x40, s25, s14, $0xb8;
	[tilespmem:$0x10500] =	vst v63  }
0xe6: {  	s23 =	sadd.s32 $0xFFFFFFFF, s23;
	s25 =	sadd.s32 $0x1980, s22  }
0xe7: {  	[tilespmem:s16], [sflag:$0x1] =	stream.indirect.gather [hbm4b:s4+s14], $0x40, s25, s14, $0xb8;
	[tilespmem:$0x10500] =	vst v63  }
0xe8: {  	s25 =	sadd.s32 $0x1A00, s22  }
0xe9: {  	[tilespmem:s17], [sflag:$0x1] =	stream.indirect.gather [hbm4b:s4+s14], $0x40, s25, s14, $0xb8;
	[tilespmem:$0x10500] =	vst v63  }
0xea: {  	s25 =	sadd.s32 $0x1A80, s22  }
0xeb: {  	[tilespmem:s18], [sflag:$0x1] =	stream.indirect.gather [hbm4b:s4+s14], $0x40, s25, s14, $0xb8;
	[tilespmem:$0x10500] =	vst v63  }
0xec: {  	_ =	swait.ge [sflag:s19], $0x2000  }
0xed: {  	[sflag:s19] =	ssyncset.done $0x0  }
0xee: {  	[sflag:s19] =	ssyncadd.s32 $0xFFFFE000  }
0xef: {  	_ =	swait.ge [sflag:s19], $0x2000  }
0xf0: {  	[sflag:s19] =	ssyncset.done $0x0  }
0xf1: {  	[sflag:s19] =	ssyncadd.s32 $0xFFFFE000  }
0xf2: {  	_ =	swait.ge [sflag:s19], $0x2000  }
0xf3: {  	[sflag:s19] =	ssyncset.done $0x0  }
0xf4: {  	[sflag:s19] =	ssyncadd.s32 $0xFFFFE000  }
0xf5: {  	_ =	swait.ge [sflag:s19], $0x2000  }
0xf6: {  	[sflag:s19] =	ssyncset.done $0x0  }
0xf7: {  	s25 =	sadd.s32 $0x3400, s22;
	[sflag:s19] =	ssyncadd.s32 $0xFFFFE000  }
0xf8: {  	[hbm4b:s2+s14] =	stream.indirect.scatter [tilespmem:s15], [sflag:$0x2], $0x40, s25, s14, $0xb8;
	[tilespmem:$0x10500] =	vst v63  }
0xf9: {  	s25 =	sadd.s32 $0x3480, s22  }
0xfa: {  	[hbm4b:s2+s14] =	stream.indirect.scatter [tilespmem:s16], [sflag:$0x2], $0x40, s25, s14, $0xb8;
	[tilespmem:$0x10500] =	vst v63  }
0xfb: {  	s25 =	sadd.s32 $0x3500, s22  }
0xfc: {  	[hbm4b:s2+s14] =	stream.indirect.scatter [tilespmem:s17], [sflag:$0x2], $0x40, s25, s14, $0xb8;
	[tilespmem:$0x10500] =	vst v63  }
0xfd: {  	s22 =	sadd.s32 $0x3580, s22  }
0xfe: {  	[hbm4b:s2+s14] =	stream.indirect.scatter [tilespmem:s18], [sflag:$0x2], $0x40, s22, s14, $0xb8;
	[tilespmem:$0x10500] =	vst v63  }
0xff: {  	_ =	swait.ge [sflag:s20], $0x2000  }
0x100: {  	[sflag:s20] =	ssyncset.done $0x0  }
0x101: {  	[sflag:s20] =	ssyncadd.s32 $0xFFFFE000  }
0x102: {  	_ =	swait.ge [sflag:s20], $0x2000  }
0x103: {  	[sflag:s20] =	ssyncset.done $0x0  }
0x104: {  	[sflag:s20] =	ssyncadd.s32 $0xFFFFE000  }
.Ltmp6:
0x105: {  	_ =	swait.ge [sflag:s20], $0x2000;
	(pc) =	sbr.rel @p1 .LBB2_6-.Ltmp6, $4  }
0x106: {  	[sflag:s20] =	ssyncset.done $0x0  }
0x107: {  	[sflag:s20] =	ssyncadd.s32 $0xFFFFE000  }
0x108: {  	s24 =	sadd.s32 $0x800, s24;
	_ =	swait.ge [sflag:s20], $0x2000  }
0x109: {  	s22 =	sshra.s32 s24, $0x2;
	[sflag:s20] =	ssyncset.done $0x0  }
.LBB2_7:
0x10a: {  	s23 =	sadd.s32 $0x1900, s22;
	[sflag:s20] =	ssyncadd.s32 @p0 $0xFFFFE000  }
0x10b: {  	[tilespmem:s15], [sflag:$0x1] =	stream.indirect.gather [hbm4b:s4+s14], $0x40, s23, s14, $0xb8;
	[tilespmem:$0x10500] =	vst v63  }
0x10c: {  	s24 =	sadd.s32 $0x1980, s22  }
0x10d: {  	[tilespmem:s16], [sflag:$0x1] =	stream.indirect.gather [hbm4b:s4+s14], $0x40, s24, s14, $0xb8;
	[tilespmem:$0x10500] =	vst v63  }
0x10e: {  	s25 =	sadd.s32 $0x1A00, s22  }
0x10f: {  	[tilespmem:s17], [sflag:$0x1] =	stream.indirect.gather [hbm4b:s4+s14], $0x40, s25, s14, $0xb8;
	[tilespmem:$0x10500] =	vst v63  }
0x110: {  	s26 =	sadd.s32 $0x1A80, s22  }
0x111: {  	[tilespmem:s18], [sflag:$0x1] =	stream.indirect.gather [hbm4b:s4+s14], $0x40, s26, s14, $0xb8;
	[tilespmem:$0x10500] =	vst v63  }
0x112: {  	_ =	swait.ge [sflag:s19], $0x2000  }
0x113: {  	[sflag:s19] =	ssyncset.done $0x0  }
0x114: {  	[sflag:s19] =	ssyncadd.s32 $0xFFFFE000  }
0x115: {  	_ =	swait.ge [sflag:s19], $0x2000  }
0x116: {  	[sflag:s19] =	ssyncset.done $0x0  }
0x117: {  	[sflag:s19] =	ssyncadd.s32 $0xFFFFE000  }
0x118: {  	_ =	swait.ge [sflag:s19], $0x2000  }
0x119: {  	[sflag:s19] =	ssyncset.done $0x0  }
0x11a: {  	[sflag:s19] =	ssyncadd.s32 $0xFFFFE000  }
0x11b: {  	_ =	swait.ge [sflag:s19], $0x2000  }
0x11c: {  	[sflag:s19] =	ssyncset.done $0x0  }
0x11d: {  	s28 =	sadd.s32 $0x3400, s22;
	[sflag:s19] =	ssyncadd.s32 $0xFFFFE000  }
0x11e: {  	[hbm4b:s2+s14] =	stream.indirect.scatter [tilespmem:s15], [sflag:$0x2], $0x40, s28, s14, $0xb8;
	[tilespmem:$0x10500] =	vst v63  }
0x11f: {  	s29 =	sadd.s32 $0x3480, s22  }
0x120: {  	[hbm4b:s2+s14] =	stream.indirect.scatter [tilespmem:s16], [sflag:$0x2], $0x40, s29, s14, $0xb8;
	[tilespmem:$0x10500] =	vst v63  }
0x121: {  	s30 =	sadd.s32 $0x3500, s22  }
0x122: {  	[hbm4b:s2+s14] =	stream.indirect.scatter [tilespmem:s17], [sflag:$0x2], $0x40, s30, s14, $0xb8;
	[tilespmem:$0x10500] =	vst v63  }
0x123: {  	s31 =	sadd.s32 $0x3580, s22  }
0x124: {  	[hbm4b:s2+s14] =	stream.indirect.scatter [tilespmem:s18], [sflag:$0x2], $0x40, s31, s14, $0xb8;
	[tilespmem:$0x10500] =	vst v63  }
0x125: {  	_ =	swait.ge [sflag:s20], $0x2000  }
0x126: {  	[sflag:s20] =	ssyncset.done $0x0  }
0x127: {  	[sflag:s20] =	ssyncadd.s32 $0xFFFFE000  }
0x128: {  	_ =	swait.ge [sflag:s20], $0x2000  }
0x129: {  	[sflag:s20] =	ssyncset.done $0x0  }
0x12a: {  	[sflag:s20] =	ssyncadd.s32 $0xFFFFE000  }
0x12b: {  	_ =	swait.ge [sflag:s20], $0x2000  }
0x12c: {  	[sflag:s20] =	ssyncset.done $0x0  }
0x12d: {  	[sflag:s20] =	ssyncadd.s32 $0xFFFFE000  }
0x12e: {  	_ =	swait.ge [sflag:s20], $0x2000  }
0x12f: {  	[sflag:s20] =	ssyncset.done $0x0  }
0x130: {  	[sflag:s20] =	ssyncadd.s32 $0xFFFFE000  }
.LBB2_8:
0x131: {  	(v2sf) =	vpush v2, $0x0;
	_ =	sdelay $0xe  }
0x132: {  	v2 =	vbroadcast v2, $0x0;
	s24 =	spop (v2sf)  }
0x133: {  	s22 =	sadd.s32 $0x1FF, s24  }
0x134: {  	v4 =	vadd.s32 v0, v2;
	s23 =	sand.u32 $0xFFFFFE00, s22  }
0x135: {  	s25 =	sadd.s32 $0x10, s24;
	vm0 =	vlt.s32 v4, s23  }
0x136: {  	v2 =	vld.msk [tilespmem:s12+$0x0], $0xffff;
	v5 =	vadd.s32 s25, v0  }
0x137: {  	v3 =	vld.msk [tilespmem:s13+$0x0], $0xffff;
	s28 =	sadd.s32 $0x20, s24;
	vm1 =	vlt.s32 v5, s23  }
0x138: {  	v6 =	vadd.s32 s28, v0  }
0x139: {  	s29 =	sadd.s32 $0x30, s24;
	vm2 =	vlt.s32 v6, s23  }
0x13a: {  	v7 =	vadd.s32 s29, v0  }
0x13b: {  	s30 =	sadd.s32 $0x40, s24;
	vm3 =	vlt.s32 v7, s23;
	[tilespmem:v4+s12+$0x0] =	vst.idx.msk vm0, v2  }
0x13c: {  	v36 =	vadd.s32 s30, v0;
	[tilespmem:v4+s13+$0x0] =	vst.idx.msk vm0, v3  }
0x13d: {  	s31 =	sadd.s32 $0x50, s24;
	vm8 =	vlt.s32 v36, s23;
	[tilespmem:v5+s12+$0x0] =	vst.idx.msk vm1, v2  }
0x13e: {  	v37 =	vadd.s32 s31, v0;
	[tilespmem:v5+s13+$0x0] =	vst.idx.msk vm1, v3  }
0x13f: {  	s26 =	sadd.s32 $0x60, s24;
	vm9 =	vlt.s32 v37, s23;
	[tilespmem:v6+s12+$0x0] =	vst.idx.msk vm2, v2  }
0x140: {  	v38 =	vadd.s32 s26, v0;
	[tilespmem:v6+s13+$0x0] =	vst.idx.msk vm2, v3  }
0x141: {  	s28 =	sadd.s32 $0x70, s24;
	vm10 =	vlt.s32 v38, s23;
	[tilespmem:v7+s12+$0x0] =	vst.idx.msk vm3, v2  }
0x142: {  	v39 =	vadd.s32 s28, v0;
	[tilespmem:v7+s13+$0x0] =	vst.idx.msk vm3, v3  }
0x143: {  	s29 =	sadd.s32 $0x80, s24;
	vm11 =	vlt.s32 v39, s23;
	[tilespmem:v36+s12+$0x0] =	vst.idx.msk vm8, v2  }
0x144: {  	v40 =	vadd.s32 s29, v0;
	[tilespmem:v36+s13+$0x0] =	vst.idx.msk vm8, v3  }
0x145: {  	s30 =	sadd.s32 $0x90, s24;
	vm12 =	vlt.s32 v40, s23;
	[tilespmem:v37+s12+$0x0] =	vst.idx.msk vm9, v2  }
0x146: {  	v41 =	vadd.s32 s30, v0;
	[tilespmem:v37+s13+$0x0] =	vst.idx.msk vm9, v3  }
0x147: {  	s31 =	sadd.s32 $0xA0, s24;
	vm13 =	vlt.s32 v41, s23;
	[tilespmem:v38+s12+$0x0] =	vst.idx.msk vm10, v2  }
0x148: {  	v42 =	vadd.s32 s31, v0;
	[tilespmem:v38+s13+$0x0] =	vst.idx.msk vm10, v3  }
0x149: {  	s26 =	sadd.s32 $0xB0, s24;
	vm14 =	vlt.s32 v42, s23;
	[tilespmem:v39+s12+$0x0] =	vst.idx.msk vm11, v2  }
0x14a: {  	v43 =	vadd.s32 s26, v0;
	[tilespmem:v39+s13+$0x0] =	vst.idx.msk vm11, v3  }
0x14b: {  	s28 =	sadd.s32 $0xC0, s24;
	vm15 =	vlt.s32 v43, s23;
	[tilespmem:v40+s12+$0x0] =	vst.idx.msk vm12, v2  }
0x14c: {  	v44 =	vadd.s32 s28, v0;
	[tilespmem:v40+s13+$0x0] =	vst.idx.msk vm12, v3  }
0x14d: {  	s29 =	sadd.s32 $0xD0, s24;
	vm6 =	vlt.s32 v44, s23;
	[tilespmem:v41+s12+$0x0] =	vst.idx.msk vm13, v2  }
0x14e: {  	v45 =	vadd.s32 s29, v0;
	[tilespmem:v41+s13+$0x0] =	vst.idx.msk vm13, v3  }
0x14f: {  	s30 =	sadd.s32 $0xE0, s24;
	vm7 =	vlt.s32 v45, s23;
	[tilespmem:v42+s12+$0x0] =	vst.idx.msk vm14, v2  }
0x150: {  	v46 =	vadd.s32 s30, v0;
	[tilespmem:v42+s13+$0x0] =	vst.idx.msk vm14, v3  }
0x151: {  	s31 =	sadd.s32 $0xF0, s24;
	vm8 =	vlt.s32 v46, s23;
	[tilespmem:v43+s12+$0x0] =	vst.idx.msk vm15, v2  }
0x152: {  	v47 =	vadd.s32 s31, v0;
	[tilespmem:v43+s13+$0x0] =	vst.idx.msk vm15, v3  }
0x153: {  	s26 =	sadd.s32 $0x100, s24;
	vm9 =	vlt.s32 v47, s23;
	[tilespmem:v44+s12+$0x0] =	vst.idx.msk vm6, v2  }
0x154: {  	v48 =	vadd.s32 s26, v0;
	[tilespmem:v44+s13+$0x0] =	vst.idx.msk vm6, v3  }
0x155: {  	s28 =	sadd.s32 $0x110, s24;
	vm10 =	vlt.s32 v48, s23;
	[tilespmem:v45+s12+$0x0] =	vst.idx.msk vm7, v2  }
0x156: {  	v49 =	vadd.s32 s28, v0;
	[tilespmem:v45+s13+$0x0] =	vst.idx.msk vm7, v3  }
0x157: {  	s29 =	sadd.s32 $0x120, s24;
	vm11 =	vlt.s32 v49, s23;
	[tilespmem:v46+s12+$0x0] =	vst.idx.msk vm8, v2  }
0x158: {  	v50 =	vadd.s32 s29, v0;
	[tilespmem:v46+s13+$0x0] =	vst.idx.msk vm8, v3  }
0x159: {  	s30 =	sadd.s32 $0x130, s24;
	vm12 =	vlt.s32 v50, s23;
	[tilespmem:v47+s12+$0x0] =	vst.idx.msk vm9, v2  }
0x15a: {  	v51 =	vadd.s32 s30, v0;
	[tilespmem:v47+s13+$0x0] =	vst.idx.msk vm9, v3  }
0x15b: {  	s31 =	sadd.s32 $0x140, s24;
	vm13 =	vlt.s32 v51, s23;
	[tilespmem:v48+s12+$0x0] =	vst.idx.msk vm10, v2  }
0x15c: {  	v52 =	vadd.s32 s31, v0;
	[tilespmem:v48+s13+$0x0] =	vst.idx.msk vm10, v3  }
0x15d: {  	s26 =	sadd.s32 $0x150, s24;
	vm14 =	vlt.s32 v52, s23;
	[tilespmem:v49+s12+$0x0] =	vst.idx.msk vm11, v2  }
0x15e: {  	v53 =	vadd.s32 s26, v0;
	[tilespmem:v49+s13+$0x0] =	vst.idx.msk vm11, v3  }
0x15f: {  	s28 =	sadd.s32 $0x160, s24;
	vm15 =	vlt.s32 v53, s23;
	[tilespmem:v50+s12+$0x0] =	vst.idx.msk vm12, v2  }
0x160: {  	v54 =	vadd.s32 s28, v0;
	[tilespmem:v50+s13+$0x0] =	vst.idx.msk vm12, v3  }
0x161: {  	s29 =	sadd.s32 $0x170, s24;
	vm6 =	vlt.s32 v54, s23;
	[tilespmem:v51+s12+$0x0] =	vst.idx.msk vm13, v2  }
0x162: {  	v55 =	vadd.s32 s29, v0;
	[tilespmem:v51+s13+$0x0] =	vst.idx.msk vm13, v3  }
0x163: {  	s30 =	sadd.s32 $0x180, s24;
	vm7 =	vlt.s32 v55, s23;
	[tilespmem:v52+s12+$0x0] =	vst.idx.msk vm14, v2  }
0x164: {  	v56 =	vadd.s32 s30, v0;
	[tilespmem:v52+s13+$0x0] =	vst.idx.msk vm14, v3  }
0x165: {  	s31 =	sadd.s32 $0x190, s24;
	vm8 =	vlt.s32 v56, s23;
	[tilespmem:v53+s12+$0x0] =	vst.idx.msk vm15, v2  }
0x166: {  	v57 =	vadd.s32 s31, v0;
	[tilespmem:v53+s13+$0x0] =	vst.idx.msk vm15, v3  }
0x167: {  	s26 =	sadd.s32 $0x1A0, s24;
	vm9 =	vlt.s32 v57, s23;
	[tilespmem:v54+s12+$0x0] =	vst.idx.msk vm6, v2  }
0x168: {  	v58 =	vadd.s32 s26, v0;
	[tilespmem:v54+s13+$0x0] =	vst.idx.msk vm6, v3  }
0x169: {  	s28 =	sadd.s32 $0x1B0, s24;
	vm10 =	vlt.s32 v58, s23;
	[tilespmem:v55+s12+$0x0] =	vst.idx.msk vm7, v2  }
0x16a: {  	v59 =	vadd.s32 s28, v0;
	[tilespmem:v55+s13+$0x0] =	vst.idx.msk vm7, v3  }
0x16b: {  	s29 =	sadd.s32 $0x1C0, s24;
	vm11 =	vlt.s32 v59, s23;
	[tilespmem:v56+s12+$0x0] =	vst.idx.msk vm8, v2  }
0x16c: {  	v60 =	vadd.s32 s29, v0;
	[tilespmem:v56+s13+$0x0] =	vst.idx.msk vm8, v3  }
0x16d: {  	s30 =	sadd.s32 $0x1D0, s24;
	vm12 =	vlt.s32 v60, s23;
	[tilespmem:v57+s12+$0x0] =	vst.idx.msk vm9, v2  }
0x16e: {  	v61 =	vadd.s32 s30, v0;
	[tilespmem:v57+s13+$0x0] =	vst.idx.msk vm9, v3  }
0x16f: {  	s31 =	sadd.s32 $0x1E0, s24;
	vm13 =	vlt.s32 v61, s23;
	[tilespmem:v58+s12+$0x0] =	vst.idx.msk vm10, v2  }
0x170: {  	v62 =	vadd.s32 s31, v0;
	[tilespmem:v58+s13+$0x0] =	vst.idx.msk vm10, v3  }
0x171: {  	s24 =	sadd.s32 $0x1F0, s24;
	vm14 =	vlt.s32 v62, s23;
	[tilespmem:v59+s12+$0x0] =	vst.idx.msk vm11, v2  }
0x172: {  	v63 =	vadd.s32 s24, v0;
	[tilespmem:v59+s13+$0x0] =	vst.idx.msk vm11, v3  }
0x173: {  	vm15 =	vlt.s32 v63, s23;
	[tilespmem:v60+s12+$0x0] =	vst.idx.msk vm12, v2  }
0x174: {  	s22 =	sshra.s32 s22, $0x9;
	[tilespmem:v60+s13+$0x0] =	vst.idx.msk vm12, v3  }
0x175: {  	p0 =	slt.s32 s22, $0x1;
	[tilespmem:v61+s12+$0x0] =	vst.idx.msk vm13, v2  }
.Ltmp7:
0x176: {  	[tilespmem:v61+s13+$0x0] =	vst.idx.msk vm13, v3;
	(pc) =	sbr.rel @p0 .LBB2_13-.Ltmp7, $4  }
0x177: {  	[tilespmem:v62+s12+$0x0] =	vst.idx.msk vm14, v2  }
0x178: {  	[tilespmem:v62+s13+$0x0] =	vst.idx.msk vm14, v3  }
0x179: {  	[tilespmem:v63+s12+$0x0] =	vst.idx.msk vm15, v2  }
0x17a: {  	s24 =	simm.s32 $0x0;
	[tilespmem:v63+s13+$0x0] =	vst.idx.msk vm15, v3  }
0x17b: {  	p1 =	sne.s32 s22, $0x1  }
.Ltmp8:
0x17c: {  	_ = 	snop;
	(pc) =	sbr.rel @!p1 .LBB2_12-.Ltmp8, $2  }
0x17d: {  	_ =	sdelay $0x2  }
0x17e: {  	s23 =	sadd.s32 $0xFFFFFFFF, s22;
	s22 =	sshra.s32 s24, $0x2;
	p0 =	por $0x0, $0x0  }
0x17f: {  	s25 =	sadd.s32 $0x4F00, s22  }
0x180: {  	[tilespmem:s15], [sflag:$0x1] =	stream.indirect.gather [hbm4b:s5+s14], $0x40, s25, s14, $0xb8;
	[tilespmem:$0x10500] =	vst v63  }
0x181: {  	s30 =	sadd.s32 $0x4F80, s22  }
0x182: {  	[tilespmem:s16], [sflag:$0x1] =	stream.indirect.gather [hbm4b:s5+s14], $0x40, s30, s14, $0xb8;
	[tilespmem:$0x10500] =	vst v63  }
0x183: {  	s31 =	sadd.s32 $0x5000, s22  }
0x184: {  	[tilespmem:s17], [sflag:$0x1] =	stream.indirect.gather [hbm4b:s5+s14], $0x40, s31, s14, $0xb8;
	[tilespmem:$0x10500] =	vst v63  }
0x185: {  	s26 =	sadd.s32 $0x5080, s22  }
0x186: {  	[tilespmem:s18], [sflag:$0x1] =	stream.indirect.gather [hbm4b:s5+s14], $0x40, s26, s14, $0xb8;
	[tilespmem:$0x10500] =	vst v63  }
0x187: {  	_ =	swait.ge [sflag:s19], $0x2000  }
0x188: {  	[sflag:s19] =	ssyncset.done $0x0  }
0x189: {  	[sflag:s19] =	ssyncadd.s32 $0xFFFFE000  }
0x18a: {  	_ =	swait.ge [sflag:s19], $0x2000  }
0x18b: {  	[sflag:s19] =	ssyncset.done $0x0  }
0x18c: {  	[sflag:s19] =	ssyncadd.s32 $0xFFFFE000  }
0x18d: {  	_ =	swait.ge [sflag:s19], $0x2000  }
0x18e: {  	[sflag:s19] =	ssyncset.done $0x0  }
0x18f: {  	[sflag:s19] =	ssyncadd.s32 $0xFFFFE000  }
0x190: {  	_ =	swait.ge [sflag:s19], $0x2000  }
0x191: {  	[sflag:s19] =	ssyncset.done $0x0  }
0x192: {  	s28 =	sadd.s32 $0x6A00, s22;
	[sflag:s19] =	ssyncadd.s32 $0xFFFFE000  }
0x193: {  	[hbm4b:s2+s14] =	stream.indirect.scatter [tilespmem:s15], [sflag:$0x2], $0x40, s28, s14, $0xb8;
	[tilespmem:$0x10500] =	vst v63  }
0x194: {  	s29 =	sadd.s32 $0x6A80, s22  }
0x195: {  	[hbm4b:s2+s14] =	stream.indirect.scatter [tilespmem:s16], [sflag:$0x2], $0x40, s29, s14, $0xb8;
	[tilespmem:$0x10500] =	vst v63  }
0x196: {  	s30 =	sadd.s32 $0x6B00, s22  }
0x197: {  	[hbm4b:s2+s14] =	stream.indirect.scatter [tilespmem:s17], [sflag:$0x2], $0x40, s30, s14, $0xb8;
	[tilespmem:$0x10500] =	vst v63  }
0x198: {  	s31 =	sadd.s32 $0x6B80, s22  }
0x199: {  	[hbm4b:s2+s14] =	stream.indirect.scatter [tilespmem:s18], [sflag:$0x2], $0x40, s31, s14, $0xb8;
	[tilespmem:$0x10500] =	vst v63  }
0x19a: {  	_ =	swait.ge [sflag:s20], $0x2000  }
0x19b: {  	[sflag:s20] =	ssyncset.done $0x0  }
0x19c: {  	[sflag:s20] =	ssyncadd.s32 $0xFFFFE000  }
0x19d: {  	_ =	swait.ge [sflag:s20], $0x2000  }
0x19e: {  	[sflag:s20] =	ssyncset.done $0x0  }
0x19f: {  	p1 =	sne.s32 s23, $0x1;
	[sflag:s20] =	ssyncadd.s32 $0xFFFFE000  }
.Ltmp9:
0x1a0: {  	_ =	swait.ge [sflag:s20], $0x2000;
	(pc) =	sbr.rel @!p1 .LBB2_12-.Ltmp9, $4  }
0x1a1: {  	[sflag:s20] =	ssyncset.done $0x0  }
0x1a2: {  	[sflag:s20] =	ssyncadd.s32 $0xFFFFE000  }
0x1a3: {  	s23 =	sadd.s32 $0xFFFFFFFF, s23;
	s24 =	sadd.s32 $0x800, s24;
	_ =	swait.ge [sflag:s20], $0x2000  }
0x1a4: {  	p0 =	por $0x1, $0x1;
	s22 =	sshra.s32 s24, $0x2;
	[sflag:s20] =	ssyncset.done $0x0  }
.LBB2_11:
0x1a5: {  	p1 =	sne.s32 s23, $0x1;
	s25 =	sadd.s32 $0x4F00, s22;
	[sflag:s20] =	ssyncadd.s32 $0xFFFFE000  }
0x1a6: {  	[tilespmem:s15], [sflag:$0x1] =	stream.indirect.gather [hbm4b:s5+s14], $0x40, s25, s14, $0xb8;
	[tilespmem:$0x10500] =	vst v63  }
0x1a7: {  	s23 =	sadd.s32 $0xFFFFFFFF, s23;
	s25 =	sadd.s32 $0x4F80, s22  }
0x1a8: {  	[tilespmem:s16], [sflag:$0x1] =	stream.indirect.gather [hbm4b:s5+s14], $0x40, s25, s14, $0xb8;
	[tilespmem:$0x10500] =	vst v63  }
0x1a9: {  	s25 =	sadd.s32 $0x5000, s22  }
0x1aa: {  	[tilespmem:s17], [sflag:$0x1] =	stream.indirect.gather [hbm4b:s5+s14], $0x40, s25, s14, $0xb8;
	[tilespmem:$0x10500] =	vst v63  }
0x1ab: {  	s25 =	sadd.s32 $0x5080, s22  }
0x1ac: {  	[tilespmem:s18], [sflag:$0x1] =	stream.indirect.gather [hbm4b:s5+s14], $0x40, s25, s14, $0xb8;
	[tilespmem:$0x10500] =	vst v63  }
0x1ad: {  	_ =	swait.ge [sflag:s19], $0x2000  }
0x1ae: {  	[sflag:s19] =	ssyncset.done $0x0  }
0x1af: {  	[sflag:s19] =	ssyncadd.s32 $0xFFFFE000  }
0x1b0: {  	_ =	swait.ge [sflag:s19], $0x2000  }
0x1b1: {  	[sflag:s19] =	ssyncset.done $0x0  }
0x1b2: {  	[sflag:s19] =	ssyncadd.s32 $0xFFFFE000  }
0x1b3: {  	_ =	swait.ge [sflag:s19], $0x2000  }
0x1b4: {  	[sflag:s19] =	ssyncset.done $0x0  }
0x1b5: {  	[sflag:s19] =	ssyncadd.s32 $0xFFFFE000  }
0x1b6: {  	_ =	swait.ge [sflag:s19], $0x2000  }
0x1b7: {  	[sflag:s19] =	ssyncset.done $0x0  }
0x1b8: {  	s25 =	sadd.s32 $0x6A00, s22;
	[sflag:s19] =	ssyncadd.s32 $0xFFFFE000  }
0x1b9: {  	[hbm4b:s2+s14] =	stream.indirect.scatter [tilespmem:s15], [sflag:$0x2], $0x40, s25, s14, $0xb8;
	[tilespmem:$0x10500] =	vst v63  }
0x1ba: {  	s25 =	sadd.s32 $0x6A80, s22  }
0x1bb: {  	[hbm4b:s2+s14] =	stream.indirect.scatter [tilespmem:s16], [sflag:$0x2], $0x40, s25, s14, $0xb8;
	[tilespmem:$0x10500] =	vst v63  }
0x1bc: {  	s25 =	sadd.s32 $0x6B00, s22  }
0x1bd: {  	[hbm4b:s2+s14] =	stream.indirect.scatter [tilespmem:s17], [sflag:$0x2], $0x40, s25, s14, $0xb8;
	[tilespmem:$0x10500] =	vst v63  }
0x1be: {  	s22 =	sadd.s32 $0x6B80, s22  }
0x1bf: {  	[hbm4b:s2+s14] =	stream.indirect.scatter [tilespmem:s18], [sflag:$0x2], $0x40, s22, s14, $0xb8;
	[tilespmem:$0x10500] =	vst v63  }
0x1c0: {  	_ =	swait.ge [sflag:s20], $0x2000  }
0x1c1: {  	[sflag:s20] =	ssyncset.done $0x0  }
0x1c2: {  	[sflag:s20] =	ssyncadd.s32 $0xFFFFE000  }
0x1c3: {  	_ =	swait.ge [sflag:s20], $0x2000  }
0x1c4: {  	[sflag:s20] =	ssyncset.done $0x0  }
0x1c5: {  	[sflag:s20] =	ssyncadd.s32 $0xFFFFE000  }
.Ltmp10:
0x1c6: {  	_ =	swait.ge [sflag:s20], $0x2000;
	(pc) =	sbr.rel @p1 .LBB2_11-.Ltmp10, $4  }
0x1c7: {  	[sflag:s20] =	ssyncset.done $0x0  }
0x1c8: {  	[sflag:s20] =	ssyncadd.s32 $0xFFFFE000  }
0x1c9: {  	s24 =	sadd.s32 $0x800, s24;
	_ =	swait.ge [sflag:s20], $0x2000  }
0x1ca: {  	s22 =	sshra.s32 s24, $0x2;
	[sflag:s20] =	ssyncset.done $0x0  }
.Ltmp11:
0x1cb: {  	_ = 	snop;
	(pc) =	sbr.rel .LBB2_12-.Ltmp11, $1  }
0x1cc: {  	_ =	sdelay $0x3  }
.LBB2_14:
0x1cd: {  	_ =	sfence.sel $0x180000  }
0x1ce: {  	[bflag:$0x0] =	sbarrier.arrive $0xFFFF  }
0x1cf: {  	p0 =	sne.s32 s0, $0x0;
	_ =	strace $0x90000047  }
0x1d0: {  	s0 =	sadd.s32 @!p0 $0x100000, s1;
	[bflag:$0x2] =	sbarrier.arrive $0xFFFF  }
0x1d1: {  	[sflag:s0] =	ssyncadd.tile.s32 @!p0 $0x1;
	_ =	shalt  }
.Lfunc_end2:
_tile_overlayer_lowered:
.L_overlay_start_2:
0x1d2: {  	(tag) =	ssettag $0x2  }
0x1d3: {  	s0 =	rddreg [dreg:$0x0];
	s2 =	stileid.u32  }
0x1d4: {  	s1 =	rddreg [dreg:$0x1];
	p0 =	sne.s32 s2, $0x0  }
0x1d5: {  	s3 =	rddreg [dreg:$0x2];
	[bflag:$0x3] =	sbarrier.arrive $0xFFFF;
	s2 =	simm.s32 @!p0 $0x1C03  }
0x1d6: {  	[timem:s3], [sflag:s2] =	dma.local @!p0 [hbm:s0], s1  }
0x1d7: {  	s0 =	simm.s32 @!p0 $0x3  }
0x1d8: {  	_ =	swait.ge @!p0 [sflag:s0], s1  }
0x1d9: {  	s1 =	ssub.s32 @!p0 $0x0, s1;
	[sflag:s0] =	ssyncset.done @!p0 $0x0  }
0x1da: {  	[sflag:s0] =	ssyncadd.s32 @!p0 s1  }
0x1db: {  	[bflag:$0x3] =	sbarrier.arrive $0xFFFF  }
0x1dc: {  	_ =	shalt  }

// kernel: sparse-core-data-format-call.cloned.1.call-start
scs
called_computation_lowered:
.L_overlay_start_0:
0x0: {  	s2 =	sld [smem:$0x3FD9]  }
0x1: {  	s3 =	sld [smem:$0x3FFE];
	_ =	sdelay $0x1  }
0x2: {  	s1 =	srdreg.scid  }
0x3: {  	s0 =	sand.u32 $0x1, s1  }
0x4: {  	s18 =	sshll.u32 s0, $0xA;
	s2 =	sadd.s32 s3, s2  }
0x5: {  	s2 =	sadd.s32 s2, s18  }
0x6: {  	[smem:$0x3FC5] =	sst s2  }
0x7: {  	_ = 	snop  }
0x8: {  	s2 =	sld [smem:$0x3FD0];
	(tm) =	ssettm $0x1  }
0x9: {  	s19 =	sld [smem:$0x3FFB];
	_ =	sdelay $0x3  }
0xa: {  	_ =	strace s19  }
0xb: {  	s3 =	sld [smem:$0x3FFC];
	_ =	sdelay $0x3  }
0xc: {  	_ =	strace s3  }
0xd: {  	s3 =	sld [smem:$0x3FFD];
	_ =	sdelay $0x3  }
0xe: {  	_ =	strace s3  }
0xf: {  	_ =	strace $0x8FFFFFFF  }
0x10: {  	s20 =	sld [smem:$0x3FDB];
	_ =	sdelay $0x1  }
0x11: {  	s4 =	simm.s32 $_scs_section_size  }
0x12: {  	s5 =	simm.s32 $_size__tile_overlayer_lowered;
	s6 =	simm.s32 $_tile_overlayer_lowered  }
0x13: {  	s23 =	simm.s32 $0x1BFF;
	s22 =	sshll.u32 s6, $0x1;
	s3 =	sadd.s32 s4, s20  }
0x14: {  	s7 =	simm.s32 $0x0;
	s21 =	sshll.u32 s5, $0x1;
	s5 =	sadd.s32 s22, s3  }
0x15: {  	[timem:s7], [sflag:s23] =	dma.local [hbm:s5], s21  }
0x16: {  	_ =	swait.ge [sflag:s23], s21  }
0x17: {  	s4 =	ssub.s32 $0x0, s21;
	[sflag:s23] =	ssyncset.done $0x0  }
0x18: {  	[sflag:s23] =	ssyncadd.s32 s4;
	_ =	sdelay $0x1  }
0x19: {  	s24 =	simm.s32 $0x1B8B  }
0x1a: {  	_ =	swait.ge [sflag:s24], $0x1  }
0x1b: {  	[sflag:s24] =	ssyncset.done $0x0  }
0x1c: {  	s26 =	simm.s32 $0x1B8E;
	s25 =	sld [smem:$0x3FFE];
	[sflag:s24] =	ssyncadd.s32 $0xFFFFFFFF  }
0x1d: {  	s27 =	simm.s32 $execute0_lowered;
	[smem:$0x3FD2] =	sst s26  }
0x1e: {  	s5 =	sshll.u32 s27, $0x1;
	_ =	strace $0x80000049;
	[dreg:$0x1] =	wrdreg $0xFFFFFFFF  }
0x1f: {  	s28 =	simm.s32 $_size_execute0_lowered;
	s3 =	sadd.s32 s3, s5;
	[dreg:$0x0] =	wrdreg $0x0  }
0x20: {  	s5 =	sshll.u32 s28, $0x1;
	[dreg:$0x2] =	wrdreg s3  }
0x21: {  	[dreg:$0x3] =	wrdreg s5  }
0x22: {  	[dreg:$0x4] =	wrdreg $0xC0  }
0x23: {  	_ =	task [dreg:s7], $0x5FFFF  }
0x24: {  	[dreg:$0x1] =	wrdreg $0xFFFFFFFF  }
0x25: {  	[dreg:$0x0] =	wrdreg $0x60  }
0x26: {  	[dreg:$0x2] =	wrdreg s25  }
0x27: {  	[dreg:$0x3] =	wrdreg s2  }
0x28: {  	[dreg:$0x4] =	wrdreg $0x9  }
0x29: {  	_ =	task.clear_ibuf [dreg:s7], $0x5FFFF;
	_ =	strace $0x90000049  }
0x2a: {  	s29 =	simm.s32 $0x9;
	_ =	strace $0x8000004B  }
0x2b: {  	_ =	swait.ge [sflag:s29], $0x1  }
0x2c: {  	[sflag:s29] =	ssyncadd.s32 $0xFFFFFFFF  }
0x2d: {  	_ =	strace $0x9000004B  }
0x2e: {  	_ =	sfence  }
0x2f: {  	s30 =	sld [smem:$0x0];
	_ =	sdelay $0x2  }
0x30: {  	s31 =	sshll.u32 s1, $0xD;
	s1 =	sshrl.u32 s1, $0x2  }
0x31: {  	s3 =	sand.u32 $0x4000, s31;
	s1 =	sadd.s32 s1, s30  }
0x32: {  	s0 =	sor.u32 s3, s0;
	s1 =	sshll.u32 s1, $0x11  }
0x33: {  	s0 =	sor.u32 s1, s0  }
0x34: {  	s0 =	sadd.s32 $0x8F2B, s0  }
0x35: {  	[sflag:s0] =	ssyncadd.remote.s32 $0x1  }
0x36: {  	_ =	sfence.sel $0xFFFF  }
0x37: {  	[dreg:$0x0] =	wrdreg $0xFFFFFFFF;
	(pc) =	sbr.abs _section_cstart, $3  }
0x38: {  	[dreg:$0x1] =	wrdreg $0xFFFFFFFF  }
0x39: {  	_ =	task.clear_ibuf [dreg:s7], $0x2FFFF;
	_ =	strace $0x9FFFFFFF  }
0x3a: {  	(tm) =	ssettm $0x7FFFFFFF  }
0x3b: {  	_ =	shalt  }
tec
execute0_lowered:
.L_overlay_start_1:
0x0: {  	(tag) =	ssettag $0x1  }
0x1: {  	s0 =	srdreg.scid  }
0x2: {  	s1 =	sshll.u32 s0, $0x4  }
0x3: {  	s0 =	stileid.u32;
	s1 =	sand.u32 $0x10, s1  }
0x4: {  	s1 =	sor.u32 s0, s1  }
0x5: {  	s6 =	rddreg [dreg:$0x0];
	s4 =	simm.s32 $0x1;
	s2 =	sshll.u32 s1, $0x7  }
0x6: {  	s7 =	simm.s32 $0x2;
	s12 =	simm.s32 $0x0;
	s1 =	ssub.s32 $0x1000, s2  }
0x7: {  	s8 =	simm.s32 $0x8000;
	s13 =	simm.s32 $0x0;
	s3 =	sand.u32 $0xF80, s1  }
0x8: {  	s9 =	simm.s32 $0x0;
	s5 =	sshrl.u32 s1, $0xC;
	p0 =	sne.s32 s3, $0x0  }
.Ltmp0:
0x9: {  	s1 =	rddreg [dreg:$0x2];
	s4 =	simm.s32 @!p0 $0x0;
	(pc) =	sbr.rel .LBB1_1-.Ltmp0, $4  }
0xa: {  	s11 =	simm.s32 $0x0;
	s3 =	rddreg [dreg:$0x1];
	s5 =	sadd.s32 s4, s5  }
0xb: {  	_ =	strace $0x8000004A;
	s4 =	simm.s32 $0x1;
	s5 =	smul.u32 $0x32, s5  }
0xc: {  	s6 =	sadd.s32 $0xA00, s6;
	s10 =	smov.u32 s2;
	[sflag:s4] =	ssyncpa.u1 $0x0  }
0xd: {  	p0 =	por $0x0, $0x0;
	[sflag:s7] =	ssyncpa.u1 $0x0;
	s7 =	sor.u32 $0x1, s5  }
.LBB1_4:
0xe: {  	s16 =	sshll.u32 s13, $0x3;
	s17 =	sand.u32 $0x78, s13  }
0xf: {  	s30 =	sand.u32 $0x7E00, s13;
	s12 =	sshll.u32 s12, $0xF;
	s16 =	sand.u32 $0xC00, s16  }
0x10: {  	[tilespmem:s15+$0x810 ss:$0x81] =	vst.msk $0xffff, v2;
	s31 =	sand.u32 $0x7, s13;
	s16 =	sor.u32 s17, s16;
	s17 =	sadd.s32 s3, s30  }
0x11: {  	[tilespmem:s15+$0x1020 ss:$0x81] =	vst.msk $0xffff, v0;
	s13 =	sshll.u32 s31, $0x12;
	s12 =	sadd.s32 s12, s17;
	s16 =	sshrl.u32 s16, $0x3  }
0x12: {  	[tilespmem:s15+$0x0 ss:$0x81] =	vst.msk $0xffff, v1;
	s13 =	sor.u32 $0x400, s13;
	s12 =	sadd.s32 s16, s12  }
0x13: {  	[hbm4b:s12+s13] =	stream.strided.scatter [tilespmem:s14], [sflag:$0x2], $0x2000, s8, s13, $0x20;
	[tilespmem:$0x8080] =	vst v63  }
.LBB1_5:
0x14: {  	s14 =	sadd.s32 $0x1, s9  }
0x15: {  	s12 =	sadd.s32 $0x1000, s10;
	s16 =	smov.u32 s10;
	p2 =	sgt.s32 s14, $0x31  }
0x16: {  	s16 =	smov.u32 @p2 s12  }
0x17: {  	s14 =	simm.s32 @p2 $0x0;
	p2 =	sgt.s32 s16, $0xFFF  }
0x18: {  	s16 =	smov.u32 @p2 s2;
	p2 =	sne.s32 s11, s7  }
.Ltmp1:
0x19: {  	p1 =	slt.u32 s11, $0x2;
	(pc) =	sbr.rel @!p2 .LBB1_6-.Ltmp1, $4  }
0x1a: {  	s15 =	simm.s32 @!p1 $0x2  }
0x1b: {  	s13 =	smov.u32 s10;
	p0 =	por !p0, !p0;
	_ =	swait.ge @!p1 [sflag:s15], $0x2000  }
0x1c: {  	s12 =	smov.u32 s9;
	[sflag:s15] =	ssyncset.done @!p1 $0x0;
	s9 =	smov.u32 s14  }
0x1d: {  	s11 =	sadd.s32 $0x1, s11;
	[sflag:s15] =	ssyncadd.s32 @!p1 $0xFFFFE000;
	s10 =	smov.u32 s16  }
.LBB1_1:
0x1e: {  	p1 =	sge.u32 s11, s5  }
0x1f: {  	s14 =	sand.u32 @!p1 $0x1FFFFFF, s9  }
0x20: {  	s15 =	smulhi.u32 @!p1 $0x4924925, s14;
	_ =	sdelay $0x1  }
0x21: {  	s15 =	smul.u32 @!p1 $0x38, s15  }
0x22: {  	s16 =	sxor.u32 @!p1 $0xFFFFFFFF, s11;
	s17 =	smul.u32 @!p1 $0x380, s10  }
0x23: {  	s31 =	sadd.s32 $0xFFFFFFFF, s11;
	s16 =	sshll.u32 @!p1 s16, $0xD;
	s14 =	ssub.s32 @!p1 s14, s15  }
0x24: {  	s15 =	sand.u32 @!p1 $0x2000, s16;
	s16 =	sadd.s32 @!p1 s6, s17;
	s14 =	sshll.u32 @!p1 s14, $0x4  }
0x25: {  	s17 =	simm.s32 @!p1 $0x1C00;
	s14 =	sadd.s32 @!p1 s14, s16;
	s16 =	simm.s32 @!p1 $0x40  }
0x26: {  	[tilespmem:s15], [sflag:$0x1] =	stream.strided.gather @!p1 [hbm4b:s14+s16], $0x2000, s17, s16, $0x38;
	[tilespmem:$0x8080] =	vst v63  }
0x27: {  	p1 =	sge.u32 s31, s5  }
.Ltmp2:
0x28: {  	_ = 	snop;
	(pc) =	sbr.rel @p1 .LBB1_5-.Ltmp2, $1  }
0x29: {  	_ =	sdelay $0x3  }
0x2a: {  	s14 =	simm.s32 $0x1  }
0x2b: {  	_ =	swait.ge [sflag:s4], $0x2000;
	s14 =	simm.s32 @!p0 $0x0  }
0x2c: {  	[sflag:s4] =	ssyncset.done $0x0;
	s15 =	sshll.u32 s14, $0xD  }
0x2d: {  	[sflag:s4] =	ssyncadd.s32 $0xFFFFE000;
	s18 =	sor.u32 $0x20, s15  }
0x2e: {  	s14 =	smul.u32 $0x8100, s14;
	v3 =	vld [tilespmem:s18+$0x10]  }
0x2f: {  	s30 =	sand.u32 $0x1, s11;
	v2 =	vld [tilespmem:s18+$0xFFFFFFF0]  }
0x30: {  	s15 =	smul.u32 $0x8100, s30;
	s14 =	sshrl.u32 s14, $0x2;
	v0 =	vld [tilespmem:s18+$0x0]  }
0x31: {  	v1 =	vld [tilespmem:s18+$0xFFFFFFE0];
	s16 =	sor.u32 $0x4000, s14  }
0x32: {  	s31 =	sshrl.u32 s15, $0x2;
	s15 =	sadd.s32 $0x0, s16  }
0x33: {  	s17 =	simm.s32 $0x4;
	s18 =	sadd.s32 $0x40, s18;
	s14 =	sor.u32 $0x4000, s31;
	[tilespmem:s15+$0x1830 ss:$0x81] =	vst.msk $0xffff, v3  }
.LBB1_3:
0x34: {  	v3 =	vld [tilespmem:s18+$0x10];
	p1 =	sne.s32 s17, $0x1FC;
	[tilespmem:s15+$0x810 ss:$0x81] =	vst.msk $0xffff, v2;
	s19 =	smov.u32 s17;
	s17 =	sadd.s32 $0x4, s17  }
.Ltmp3:
0x35: {  	v2 =	vld [tilespmem:s18+$0xFFFFFFF0];
	[tilespmem:s15+$0x1020 ss:$0x81] =	vst.msk $0xffff, v0;
	(pc) =	sbr.rel @p1 .LBB1_3-.Ltmp3, $4  }
0x36: {  	v0 =	vld [tilespmem:s18+$0x0];
	[tilespmem:s15+$0x0 ss:$0x81] =	vst.msk $0xffff, v1  }
0x37: {  	s15 =	sshra.s32 s19, $0x2;
	v1 =	vld [tilespmem:s18+$0xFFFFFFE0]  }
0x38: {  	s15 =	sadd.s32 s15, s16  }
0x39: {  	s18 =	sadd.s32 $0x40, s18;
	[tilespmem:s15+$0x1830 ss:$0x81] =	vst.msk $0xffff, v3  }
.Ltmp4:
0x3a: {  	_ = 	snop;
	(pc) =	sbr.rel .LBB1_4-.Ltmp4, $1  }
0x3b: {  	_ =	sdelay $0x3  }
.LBB1_6:
0x3c: {  	_ =	sfence.sel $0x180000  }
0x3d: {  	s2 =	simm.s32 $0x1;
	[bflag:$0x0] =	sbarrier.arrive $0xFFFF  }
0x3e: {  	s31 =	simm.s32 $0x2;
	[sflag:s2] =	ssyncpa.u1 $0x1  }
0x3f: {  	[sflag:s31] =	ssyncpa.u1 $0x1  }
0x40: {  	p0 =	sne.s32 s0, $0x0;
	_ =	strace $0x9000004A  }
0x41: {  	s0 =	sadd.s32 @!p0 $0x100000, s1;
	[bflag:$0x2] =	sbarrier.arrive $0xFFFF  }
0x42: {  	[sflag:s0] =	ssyncadd.tile.s32 @!p0 $0x1;
	_ =	shalt  }
.Lfunc_end1:
_tile_overlayer_lowered:
.L_overlay_start_2:
0x43: {  	(tag) =	ssettag $0x2  }
0x44: {  	s0 =	rddreg [dreg:$0x0];
	s2 =	stileid.u32  }
0x45: {  	s1 =	rddreg [dreg:$0x1];
	p0 =	sne.s32 s2, $0x0  }
0x46: {  	s3 =	rddreg [dreg:$0x2];
	[bflag:$0x3] =	sbarrier.arrive $0xFFFF;
	s2 =	simm.s32 @!p0 $0x1C01  }
0x47: {  	[timem:s3], [sflag:s2] =	dma.local @!p0 [hbm:s0], s1  }
0x48: {  	s0 =	simm.s32 @!p0 $0x1  }
0x49: {  	_ =	swait.ge @!p0 [sflag:s0], s1  }
0x4a: {  	s1 =	ssub.s32 @!p0 $0x0, s1;
	[sflag:s0] =	ssyncset.done @!p0 $0x0  }
0x4b: {  	[sflag:s0] =	ssyncadd.s32 @!p0 s1  }
0x4c: {  	[bflag:$0x3] =	sbarrier.arrive $0xFFFF  }
0x4d: {  	_ =	shalt  }

</sc_bundles>
